<compile_context>
chip_gen: v7x
topology: tpu7x:2x2x1
jax: 0.10.2.dev20260603
libtpu: 0.0.44.dev20260713+nightly
codegen_flags: <defaults>
</compile_context>

<pallas_src>
import functools

import jax
import jax.numpy as jnp
from jax import lax
from jax.experimental import pallas as pl
from jax.experimental.pallas import tpu as pltpu
from jax.experimental.pallas import tpu_sc as plsc

_NPOINT = 1024
_NSAMPLE = 32
_RADIUS = 0.2
_INTERPRET = False

_BIGKEY = 0x7FFFFFFF
_IDXMASK = 8191
_KEYCLEAR = -8192



def _fps_body(xyzT_ref, f0_ref, nxyz_ref):
    _, B, SUB, NL = xyzT_ref.shape
    N = SUB * NL
    x0 = xyzT_ref[0]
    x1 = xyzT_ref[1]
    x2 = xyzT_ref[2]
    s_iota = lax.broadcasted_iota(jnp.int32, (B, SUB, NL), 1)
    l_iota = lax.broadcasted_iota(jnp.int32, (B, SUB, NL), 2)
    nflat = s_iota * NL + l_iota

    def _redmax(v):
        return jnp.max(jnp.max(v, axis=2, keepdims=True), axis=1, keepdims=True)

    def _redmin(v):
        return jnp.min(jnp.min(v, axis=2, keepdims=True), axis=1, keepdims=True)

    def step(i, carry):
        f, dist = carry
        onehot = (nflat == f)[None]
        cc = jnp.max(jnp.max(jnp.where(onehot, xyzT_ref[...], -jnp.inf),
                             axis=3, keepdims=True), axis=2, keepdims=True)
        nxyz_ref[:, pl.ds(i, 1), :] = jnp.concatenate(
            [cc[0], cc[1], cc[2]], axis=2)
        d = ((x0 - cc[0]) ** 2 + (x1 - cc[1]) ** 2 + (x2 - cc[2]) ** 2)
        dist = jnp.minimum(dist, d)
        m = _redmax(dist)
        cand = jnp.where(dist == m, nflat, N)
        return _redmin(cand), dist

    f0 = f0_ref[0, :].reshape(B, 1, 1)
    dist0 = jnp.full((B, SUB, NL), 1e10, jnp.float32)
    lax.fori_loop(0, _NPOINT, step, (f0, dist0), unroll=2)


def _run_fps(xyzT, f0):
    B = xyzT.shape[1]
    return pl.pallas_call(
        _fps_body,
        out_shape=jax.ShapeDtypeStruct((B, _NPOINT, 3), jnp.float32),
        interpret=_INTERPRET,
    )(xyzT, f0)



def _select_body(q_ref, xyzT_ref, out_ref, key_ref):
    SB = q_ref.shape[1]
    N = xyzT_ref.shape[2]
    b = pl.program_id(0)
    x0 = xyzT_ref[0, 0:1, :]
    x1 = xyzT_ref[0, 1:2, :]
    x2 = xyzT_ref[0, 2:3, :]
    q0 = q_ref[0, :, 0:1]
    q1 = q_ref[0, :, 1:2]
    q2 = q_ref[0, :, 2:3]
    x2sum = x0 * x0 + x1 * x1 + x2 * x2
    q2sum = q0 * q0 + q1 * q1 + q2 * q2

    def rne16(v):
        bv = lax.bitcast_convert_type(v, jnp.int32)
        r = bv + 0x7FFF + jnp.bitwise_and(lax.shift_right_arithmetic(bv, 16), 1)
        return lax.bitcast_convert_type(jnp.bitwise_and(r, -65536), jnp.float32)

    acc = (rne16(q0) * rne16(x0) + rne16(q1) * rne16(x1)
           + rne16(q2) * rne16(x2))
    d2 = (q2sum + x2sum) - 2.0 * acc
    d = jnp.sqrt(jnp.maximum(d2, 0.0))
    n_iota = lax.broadcasted_iota(jnp.int32, (SB, N), 1)
    bits = lax.bitcast_convert_type(d, jnp.int32)
    key_all = jnp.bitwise_or(jnp.bitwise_and(bits, _KEYCLEAR), n_iota)
    nearest = jnp.bitwise_and(
        jnp.min(key_all, axis=1, keepdims=True), _IDXMASK)
    key = jnp.where(d <= jnp.float32(_RADIUS), key_all, _BIGKEY)
    key_ref[...] = key
    col = lax.broadcasted_iota(jnp.int32, (SB, _NSAMPLE), 1)
    out0 = jnp.zeros((SB, _NSAMPLE), jnp.int32)
    kprev0 = jnp.full((SB, 1), -1, jnp.int32)

    def step(k, carry):
        out, kprev = carry
        kk = key_ref[...]
        kmin = jnp.min(jnp.where(kk > kprev, kk, _BIGKEY),
                       axis=1, keepdims=True)
        sel = jnp.where(kmin != _BIGKEY,
                        jnp.bitwise_and(kmin, _IDXMASK), nearest)
        out = jnp.where(col == k, sel, out)
        return out, kmin

    out, _ = lax.fori_loop(0, _NSAMPLE, step, (out0, kprev0), unroll=False)
    out_ref[0] = out + b * N


def _run_select(q_rows, xyzT2, SB=256):
    B, S, _ = q_rows.shape
    N = xyzT2.shape[2]
    return pl.pallas_call(
        _select_body,
        grid=(B, S // SB),
        in_specs=[
            pl.BlockSpec((1, SB, 3), lambda b, s: (b, s, 0)),
            pl.BlockSpec((1, 3, N), lambda b, s: (b, 0, 0)),
        ],
        out_specs=pl.BlockSpec((1, SB, _NSAMPLE), lambda b, s: (b, s, 0)),
        out_shape=jax.ShapeDtypeStruct((B, S, _NSAMPLE), jnp.int32),
        scratch_shapes=[pltpu.VMEM((SB, N), jnp.int32)],
        interpret=_INTERPRET,
    )(q_rows, xyzT2)



def _gather_rows(table, idx):
    M = idx.shape[0]
    D = table.shape[1]
    NW = 32
    rpw = M // NW
    CH = min(128, rpw)
    nch = rpw // CH
    mesh = plsc.VectorSubcoreMesh(core_axis_name="c", subcore_axis_name="s")
    idx2 = idx.reshape(M // CH, CH)

    @functools.partial(
        pl.kernel,
        out_type=jax.ShapeDtypeStruct((M, D), jnp.float32),
        mesh=mesh,
        scratch_types=[
            pltpu.VMEM((nch, CH), jnp.int32),
            pltpu.VMEM((CH, D), jnp.float32),
            pltpu.SemaphoreType.DMA,
        ],
        compiler_params=pltpu.CompilerParams(use_tc_tiling_on_sc=False),
    )
    def k(table_hbm, idx_hbm, out_hbm, idx_v, rows_v, sem):
        wid = lax.axis_index("s") * 2 + lax.axis_index("c")
        base = wid * rpw
        pltpu.sync_copy(idx_hbm.at[pl.ds(wid * nch, nch)], idx_v)

        def chunk(j, _):
            pltpu.async_copy(table_hbm.at[idx_v.at[j]], rows_v, sem).wait()
            pltpu.sync_copy(rows_v, out_hbm.at[pl.ds(base + j * CH, CH)])
            return 0

        lax.fori_loop(0, nch, chunk, 0, unroll=False)

    return k(table, idx2)



_EPS = 1e-5

def _mxu_dot(a, b):
    return jnp.dot(a.astype(jnp.bfloat16), b.astype(jnp.bfloat16),
                   preferred_element_type=jnp.float32)



def _bn_affine(mean_in, gram_in, wt, bvec, g, be, m_count):
    mu_in = mean_in / m_count
    mu = jnp.dot(mu_in, wt, preferred_element_type=jnp.float32) + bvec
    t = jnp.dot(gram_in / m_count, wt, preferred_element_type=jnp.float32)
    ex2 = (jnp.sum(wt * t, axis=0, keepdims=True)
           + 2.0 * bvec * (mu - bvec) + bvec * bvec)
    var = ex2 - mu * mu
    scale = g / jnp.sqrt(var + _EPS)
    shift = be - mu * scale
    return scale, shift


def _mlp_body(g_ref, c_ref, w1_ref, b1_ref, g1_ref, be1_ref,
              w2_ref, b2_ref, g2_ref, be2_ref,
              w3_ref, b3_ref, g3_ref, be3_ref, out_ref,
              sumf, gramf, s1, g1m, s2, g2m, m_count=None, R=None):
    p = pl.program_id(0)
    i = pl.program_id(1)
    rows = R // _NSAMPLE

    def feat():
        c = c_ref[...]
        cpad = jnp.concatenate(
            [c, jnp.zeros((rows, 13), jnp.float32)], axis=1)
        f = (g_ref[...].reshape(rows, _NSAMPLE, 16) - cpad[:, None, :])
        return f.reshape(R, 16)

    @pl.when(p == 0)
    def _phase0():
        f2 = feat()

        @pl.when(i == 0)
        def _():
            sumf[...] = jnp.zeros_like(sumf)
            gramf[...] = jnp.zeros_like(gramf)

        sumf[...] += jnp.sum(f2, axis=0, keepdims=True)
        gramf[...] += lax.dot_general(
            f2, f2, (((0,), (0,)), ((), ())),
            preferred_element_type=jnp.float32)

    def layer(y, w_ref, b_ref, gg_ref, be_ref, mean_in, gram_in):
        s, t = _bn_affine(mean_in, gram_in, w_ref[...], b_ref[...],
                          gg_ref[...], be_ref[...], m_count)
        return jnp.maximum(_mxu_dot(y, w_ref[...]) * s + t, 0.0)

    @pl.when(p == 1)
    def _phase1():
        y1 = layer(feat(), w1_ref, b1_ref, g1_ref,
                   be1_ref, sumf[...], gramf[...])

        @pl.when(i == 0)
        def _():
            s1[...] = jnp.zeros_like(s1)
            g1m[...] = jnp.zeros_like(g1m)

        s1[...] += jnp.sum(y1, axis=0, keepdims=True)
        g1m[...] += lax.dot_general(
            y1, y1, (((0,), (0,)), ((), ())),
            preferred_element_type=jnp.float32)

    @pl.when(p == 2)
    def _phase2():
        y1 = layer(feat(), w1_ref, b1_ref, g1_ref,
                   be1_ref, sumf[...], gramf[...])
        y2 = layer(y1, w2_ref, b2_ref, g2_ref, be2_ref, s1[...], g1m[...])

        @pl.when(i == 0)
        def _():
            s2[...] = jnp.zeros_like(s2)
            g2m[...] = jnp.zeros_like(g2m)

        s2[...] += jnp.sum(y2, axis=0, keepdims=True)
        g2m[...] += lax.dot_general(
            y2, y2, (((0,), (0,)), ((), ())),
            preferred_element_type=jnp.float32)

    @pl.when(p == 3)
    def _phase3():
        y1 = layer(feat(), w1_ref, b1_ref, g1_ref,
                   be1_ref, sumf[...], gramf[...])
        y2 = layer(y1, w2_ref, b2_ref, g2_ref, be2_ref, s1[...], g1m[...])
        y3 = layer(y2, w3_ref, b3_ref, g3_ref, be3_ref, s2[...], g2m[...])
        out_ref[...] = jnp.max(
            y3.reshape(rows, _NSAMPLE, y3.shape[1]), axis=1)


def _run_mlp(G, C, w1t, b1, g1, be1, w2t, b2, g2, be2, w3t, b3, g3, be3):
    M = G.shape[0]
    R = 8192
    nblk = M // R
    rows = R // _NSAMPLE

    def full(shape):
        return pl.BlockSpec(shape, lambda p, i: tuple(0 for _ in shape))

    return pl.pallas_call(
        functools.partial(_mlp_body, m_count=float(M), R=R),
        grid=(4, nblk),
        in_specs=[
            pl.BlockSpec((R, 16), lambda p, i: (i, 0)),
            pl.BlockSpec((rows, 3), lambda p, i: (i, 0)),
            full((16, 32)), full((1, 32)), full((1, 32)), full((1, 32)),
            full((32, 32)), full((1, 32)), full((1, 32)), full((1, 32)),
            full((32, 64)), full((1, 64)), full((1, 64)), full((1, 64)),
        ],
        out_specs=pl.BlockSpec((rows, 64), lambda p, i: (i, 0)),
        out_shape=jax.ShapeDtypeStruct((M // _NSAMPLE, 64), jnp.float32),
        scratch_shapes=[
            pltpu.VMEM((1, 16), jnp.float32),
            pltpu.VMEM((16, 16), jnp.float32),
            pltpu.VMEM((1, 32), jnp.float32),
            pltpu.VMEM((32, 32), jnp.float32),
            pltpu.VMEM((1, 32), jnp.float32),
            pltpu.VMEM((32, 32), jnp.float32),
        ],
        interpret=_INTERPRET,
    )(G, C, w1t, b1, g1, be1, w2t, b2, g2, be2, w3t, b3, g3, be3)



def kernel(xyz, points, W1, b1, g1, be1, W2, b2, g2, be2, W3, b3, g3, be3):
    B, N, _ = xyz.shape
    S = _NPOINT

    f0 = jax.random.randint(jax.random.key(1), (B,), 0, N).astype(jnp.int32)
    xyzT = jnp.transpose(xyz, (2, 0, 1))
    new_xyz = _run_fps(xyzT.reshape(3, B, 8, N // 8), f0.reshape(1, B))

    ball_idx = _run_select(new_xyz, jnp.transpose(xyz, (0, 2, 1)))

    table = jnp.concatenate(
        [xyz, points, jnp.zeros((B, N, 7), jnp.float32)], axis=-1
    ).reshape(B * N, 16)
    g_rows = _gather_rows(table, ball_idx.reshape(B * S * _NSAMPLE))

    pad = jnp.zeros((7, 32), jnp.float32)
    w1t = jnp.concatenate([W1.T, pad], axis=0)
    out = _run_mlp(
        g_rows, new_xyz.reshape(B * S, 3), w1t,
        b1.reshape(1, 32), g1.reshape(1, 32), be1.reshape(1, 32),
        W2.T, b2.reshape(1, 32), g2.reshape(1, 32), be2.reshape(1, 32),
        W3.T, b3.reshape(1, 64), g3.reshape(1, 64), be3.reshape(1, 64))
    new_points = out.reshape(B, S, 64)
    return new_xyz, new_points

# --- scband reference (transcript-rebuilt; emitter-appended) ---
"""Pipeline reference for scband-point-net-set-abstraction-32512902431504 (READ-ONLY COPY).

The authoritative reference and input builder live on the scoring server;
editing this copy changes nothing except your own understanding.
"""

import jax, jax.numpy as jnp
import numpy as np

NPOINT = 1024
RADIUS = 0.2
NSAMPLE = 32


def farthest_point_sample(xyz, npoint, key):
    B, N, _ = xyz.shape
    farthest = jax.random.randint(key, (B,), 0, N).astype(jnp.int32)
    distance = jnp.full((B, N), 1e10, dtype=xyz.dtype)
    centroids = jnp.zeros((B, npoint), dtype=jnp.int32)
    batch_idx = jnp.arange(B)
    def body(i, state):
        centroids, distance, farthest = state
        centroids = centroids.at[:, i].set(farthest)
        centroid = xyz[batch_idx, farthest][:, None, :]
        dist = jnp.sum((xyz - centroid) ** 2, axis=-1)
        distance = jnp.minimum(distance, dist)
        farthest = jnp.argmax(distance, axis=-1).astype(jnp.int32)
        return (centroids, distance, farthest)
    centroids, _, _ = jax.lax.fori_loop(0, npoint, body, (centroids, distance, farthest))
    return centroids


def index_points(points, idx):
    return jax.vmap(lambda p, i: p[i])(points, idx)


def query_ball_point(radius, nsample, xyz, new_xyz):
    d2 = (jnp.sum(new_xyz ** 2, -1)[:, :, None]
          + jnp.sum(xyz ** 2, -1)[:, None, :]
          - 2.0 * jnp.einsum('bsd,bnd->bsn', new_xyz, xyz))
    dists = jnp.sqrt(jnp.maximum(d2, 0.0))
    sorted_idx = jnp.argsort(dists, axis=-1)
    sorted_dists = jnp.take_along_axis(dists, sorted_idx, axis=-1)
    group_idx = sorted_idx[:, :, :nsample]
    group_dists = sorted_dists[:, :, :nsample]
    invalid = group_dists > radius
    group_idx = jnp.where(invalid, jnp.broadcast_to(group_idx[:, :, 0:1], group_idx.shape), group_idx)
    return group_idx


def bn_relu(x, g, b, eps=1e-5):
    mean = jnp.mean(x, axis=(0, 2, 3), keepdims=True)
    var = jnp.var(x, axis=(0, 2, 3), keepdims=True)
    xh = (x - mean) / jnp.sqrt(var + eps)
    return jnp.maximum(xh * g[None, :, None, None] + b[None, :, None, None], 0.0)


def _forward(xyz, points, W1, b1, g1, be1, W2, b2, g2, be2, W3, b3, g3, be3):
    fps_idx = farthest_point_sample(jax.lax.stop_gradient(xyz), NPOINT, jax.random.key(1))
    new_xyz = index_points(xyz, fps_idx)
    ball_idx = query_ball_point(RADIUS, NSAMPLE, jax.lax.stop_gradient(xyz), jax.lax.stop_gradient(new_xyz))
    grouped_xyz = index_points(xyz, ball_idx) - new_xyz[:, :, None, :]
    grouped_pts = jnp.concatenate([grouped_xyz, index_points(points, ball_idx)], axis=-1)
    x = jnp.transpose(grouped_pts, (0, 3, 2, 1))
    x = bn_relu(jnp.einsum('oc,bcks->boks', W1, x) + b1[None, :, None, None], g1, be1)
    x = bn_relu(jnp.einsum('oc,bcks->boks', W2, x) + b2[None, :, None, None], g2, be2)
    x = bn_relu(jnp.einsum('oc,bcks->boks', W3, x) + b3[None, :, None, None], g3, be3)
    new_points = jnp.transpose(jnp.max(x, axis=2), (0, 2, 1))
    return new_xyz, new_points


def setup_inputs(seed: int = 0):
    key = jax.random.key(seed)
    ks = jax.random.split(key, 8)
    B, N = 4, 8192
    inp = {}
    inp['xyz'] = jax.random.normal(ks[0], (B, N, 3), dtype=jnp.float32)
    inp['points'] = jax.random.normal(ks[1], (B, N, 6), dtype=jnp.float32)
    inp['W1'] = jax.random.normal(ks[2], (32, 9), dtype=jnp.float32) * 0.1
    inp['b1'] = jnp.zeros((32,), jnp.float32)
    inp['g1'] = jnp.ones((32,), jnp.float32)
    inp['be1'] = jnp.zeros((32,), jnp.float32)
    inp['W2'] = jax.random.normal(ks[3], (32, 32), dtype=jnp.float32) * 0.1
    inp['b2'] = jnp.zeros((32,), jnp.float32)
    inp['g2'] = jnp.ones((32,), jnp.float32)
    inp['be2'] = jnp.zeros((32,), jnp.float32)
    inp['W3'] = jax.random.normal(ks[4], (64, 32), dtype=jnp.float32) * 0.1
    inp['b3'] = jnp.zeros((64,), jnp.float32)
    inp['g3'] = jnp.ones((64,), jnp.float32)
    inp['be3'] = jnp.zeros((64,), jnp.float32)
    return inp


def reference(xyz, points, W1, b1, g1, be1, W2, b2, g2, be2, W3, b3, g3, be3):
    return _forward(xyz, points, W1, b1, g1, be1, W2, b2, g2, be2, W3, b3, g3, be3)

if __name__ == "__main__":
    import jax
    _d = setup_inputs()
    print(jax.jit(kernel)(*tuple(_d.values())))

</pallas_src>

<mosaic_0001>
#map = affine_map<(d0, d1) -> (0, 0)>
module attributes {stable_mosaic.version = 14 : i64} {
  func.func @k(%arg0: i32, %arg1: i32, %arg2: memref<32768x16xf32, #tpu.memory_space<hbm>>, %arg3: memref<1024x128xi32, #tpu.memory_space<hbm>>, %arg4: memref<131072x16xf32, #tpu.memory_space<hbm>>, %arg5: memref<32x128xi32, #tpu.memory_space<vmem>>, %arg6: memref<128x16xf32, #tpu.memory_space<vmem>>, %arg7: memref<!tpu.dma_semaphore, #tpu.memory_space<semaphore_mem>>) attributes {dimension_semantics = [#tpu.dimension_semantics<core_parallel>, #tpu.dimension_semantics<subcore_parallel>], iteration_bounds = array<i64: 2, 16>, scalar_prefetch = 0 : i64, scratch_operands = 3 : i64, tpu.core_type = #tpu.core_type<sc_vector_subcore>, window_params = [{transform_indices = #map}, {transform_indices = #map}, {transform_indices = #map}]} {
    %mul3A = arith.constant 2 : i32
    %mul3A_0 = arith.muli %arg1, %mul3A : i32
    %add3A = arith.addi %mul3A_0, %arg0 : i32
    %mul3A_1 = arith.constant 4096 : i32
    %mul3A_2 = arith.muli %add3A, %mul3A_1 : i32
    %mul3A_3 = arith.constant 32 : i32
    %mul3A_4 = arith.muli %add3A, %mul3A_3 : i32
    "tpu.region"() ({
      %run_scoped3A = tpu.sem_alloc : memref<!tpu.dma_semaphore, #tpu.memory_space<semaphore_mem>>
      %dma_start3A = arith.constant 0 : i32
      %dma_start3A_11 = tpu.memref_slice %arg3[%mul3A_4, %dma_start3A] : memref<1024x128xi32, #tpu.memory_space<hbm>> -> memref<32x128xi32, #tpu.memory_space<hbm>>
      %dma_start3A_12 = arith.constant 0 : i32
      %dma_start3A_13 = tpu.memref_slice %arg3[%mul3A_4, %dma_start3A_12] : memref<1024x128xi32, #tpu.memory_space<hbm>> -> memref<32x128xi32, #tpu.memory_space<hbm>>
      tpu.enqueue_dma source(%dma_start3A_13 : memref<32x128xi32, #tpu.memory_space<hbm>>) target(%arg5 : memref<32x128xi32, #tpu.memory_space<vmem>>) target_semaphore(%run_scoped3A : memref<!tpu.dma_semaphore, #tpu.memory_space<semaphore_mem>>)
      %dma_wait3A = arith.constant 0 : i32
      %dma_wait3A_14 = tpu.memref_slice %arg3[%mul3A_4, %dma_wait3A] : memref<1024x128xi32, #tpu.memory_space<hbm>> -> memref<32x128xi32, #tpu.memory_space<hbm>>
      %dma_wait3A_15 = arith.constant 0 : i32
      %dma_wait3A_16 = tpu.memref_slice %arg3[%mul3A_4, %dma_wait3A_15] : memref<1024x128xi32, #tpu.memory_space<hbm>> -> memref<32x128xi32, #tpu.memory_space<hbm>>
      tpu.wait_dma2 semaphore(%run_scoped3A : memref<!tpu.dma_semaphore, #tpu.memory_space<semaphore_mem>>) src(%dma_wait3A_16 : memref<32x128xi32, #tpu.memory_space<hbm>>) dst(%arg5 : memref<32x128xi32, #tpu.memory_space<vmem>>)
      tpu.yield
    }) : () -> ()
    %scan3A = arith.constant 0 : i32
    %scan3A_5 = arith.constant 0 : i32
    %scan3A_6 = arith.constant 32 : i32
    %scan3A_7 = arith.addi %scan3A_5, %scan3A_6 : i32
    %scan3A_8 = arith.constant 1 : i32
    %scan3A_9 = scf.for %scan3A_11 = %scan3A_5 to %scan3A_7 step %scan3A_8 iter_args(%scan3A_12 = %scan3A) -> (i32)  : i32 {
      %dma_start3A = arith.constant 0 : i32
      %dma_start3A_13 = tpu.memref_slice %arg5[%scan3A_11, %dma_start3A] : memref<32x128xi32, #tpu.memory_space<vmem>> -> memref<1x128xi32, #tpu.memory_space<vmem>>
      %dma_start3A_14 = tpu.memref_squeeze %dma_start3A_13 : memref<1x128xi32, #tpu.memory_space<vmem>> -> memref<128xi32, #tpu.memory_space<vmem>>
      %dma_start3A_15 = arith.constant 0 : i32
      %dma_start3A_16 = arith.constant 0 : i32
      %dma_start3A_17 = tpu.memref_slice %arg2[%dma_start3A_15, %dma_start3A_16] : memref<32768x16xf32, #tpu.memory_space<hbm>> -> memref<32768x16xf32, #tpu.memory_space<hbm>>
      tpu.enqueue_indirect_dma source(%dma_start3A_17 : memref<32768x16xf32, #tpu.memory_space<hbm>>) target(%arg6 : memref<128x16xf32, #tpu.memory_space<vmem>>) offsets(%dma_start3A_14 : memref<128xi32, #tpu.memory_space<vmem>>) semaphore(%arg7 : memref<!tpu.dma_semaphore, #tpu.memory_space<semaphore_mem>>)
      %dma_wait3A = arith.constant 0 : i32
      %dma_wait3A_18 = tpu.memref_slice %arg5[%scan3A_11, %dma_wait3A] : memref<32x128xi32, #tpu.memory_space<vmem>> -> memref<1x128xi32, #tpu.memory_space<vmem>>
      %dma_wait3A_19 = tpu.memref_squeeze %dma_wait3A_18 : memref<1x128xi32, #tpu.memory_space<vmem>> -> memref<128xi32, #tpu.memory_space<vmem>>
      %dma_wait3A_20 = arith.constant 0 : i32
      %dma_wait3A_21 = arith.constant 0 : i32
      %dma_wait3A_22 = tpu.memref_slice %arg2[%dma_wait3A_20, %dma_wait3A_21] : memref<32768x16xf32, #tpu.memory_space<hbm>> -> memref<32768x16xf32, #tpu.memory_space<hbm>>
      tpu.wait_indirect_dma semaphore(%arg7 : memref<!tpu.dma_semaphore, #tpu.memory_space<semaphore_mem>>) src(%dma_wait3A_22 : memref<32768x16xf32, #tpu.memory_space<hbm>>) dst(%arg6 : memref<128x16xf32, #tpu.memory_space<vmem>>)
      %mul3A_23 = arith.constant 128 : i32
      %mul3A_24 = arith.muli %scan3A_11, %mul3A_23 : i32
      %add3A_25 = arith.addi %mul3A_2, %mul3A_24 : i32
      "tpu.region"() ({
        %run_scoped3A = tpu.sem_alloc : memref<!tpu.dma_semaphore, #tpu.memory_space<semaphore_mem>>
        %dma_start3A_27 = arith.constant 0 : i32
        %dma_start3A_28 = tpu.memref_slice %arg4[%add3A_25, %dma_start3A_27] : memref<131072x16xf32, #tpu.memory_space<hbm>> -> memref<128x16xf32, #tpu.memory_space<hbm>>
        %dma_start3A_29 = arith.constant 0 : i32
        %dma_start3A_30 = tpu.memref_slice %arg4[%add3A_25, %dma_start3A_29] : memref<131072x16xf32, #tpu.memory_space<hbm>> -> memref<128x16xf32, #tpu.memory_space<hbm>>
        tpu.enqueue_dma source(%arg6 : memref<128x16xf32, #tpu.memory_space<vmem>>) target(%dma_start3A_30 : memref<128x16xf32, #tpu.memory_space<hbm>>) target_semaphore(%run_scoped3A : memref<!tpu.dma_semaphore, #tpu.memory_space<semaphore_mem>>)
        %dma_wait3A_31 = arith.constant 0 : i32
        %dma_wait3A_32 = tpu.memref_slice %arg4[%add3A_25, %dma_wait3A_31] : memref<131072x16xf32, #tpu.memory_space<hbm>> -> memref<128x16xf32, #tpu.memory_space<hbm>>
        %dma_wait3A_33 = arith.constant 0 : i32
        %dma_wait3A_34 = tpu.memref_slice %arg4[%add3A_25, %dma_wait3A_33] : memref<131072x16xf32, #tpu.memory_space<hbm>> -> memref<128x16xf32, #tpu.memory_space<hbm>>
        tpu.wait_dma2 semaphore(%run_scoped3A : memref<!tpu.dma_semaphore, #tpu.memory_space<semaphore_mem>>) src(%arg6 : memref<128x16xf32, #tpu.memory_space<vmem>>) dst(%dma_wait3A_34 : memref<128x16xf32, #tpu.memory_space<hbm>>)
        tpu.yield
      }) : () -> ()
      %scan3A_26 = arith.constant 0 : i32
      scf.yield %scan3A_26 : i32
    }
    %scan3A_10 = arith.constant 32 : i32
    return
  }
}

module attributes {stable_mosaic.version = 14 : i64} {
  func.func @_fps_body(%arg0: memref<3x4x8x1024xf32, #tpu.memory_space<vmem>>, %arg1: memref<1x4xi32, #tpu.memory_space<vmem>>, %arg2: memref<4x1024x3xf32, #tpu.memory_space<vmem>>) attributes {dimension_semantics = [], scalar_prefetch = 0 : i64, scratch_operands = 0 : i64, tpu.core_type = #tpu.core_type<tc>} {
    %get3A = arith.constant 0 : index
    %get3A_0 = arith.constant 0 : index
    %get3A_1 = arith.constant 0 : index
    %get3A_2 = arith.constant 0 : index
    %get3A_3 = vector.load %arg0[%get3A, %get3A_0, %get3A_1, %get3A_2] : memref<3x4x8x1024xf32, #tpu.memory_space<vmem>>, vector<1x4x8x1024xf32>
    %get3A_4 = vector.shape_cast %get3A_3 : vector<1x4x8x1024xf32> to vector<4x8x1024xf32>
    %get3A_5 = arith.constant 1 : index
    %get3A_6 = arith.constant 0 : index
    %get3A_7 = arith.constant 0 : index
    %get3A_8 = arith.constant 0 : index
    %get3A_9 = vector.load %arg0[%get3A_5, %get3A_6, %get3A_7, %get3A_8] : memref<3x4x8x1024xf32, #tpu.memory_space<vmem>>, vector<1x4x8x1024xf32>
    %get3A_10 = vector.shape_cast %get3A_9 : vector<1x4x8x1024xf32> to vector<4x8x1024xf32>
    %get3A_11 = arith.constant 2 : index
    %get3A_12 = arith.constant 0 : index
    %get3A_13 = arith.constant 0 : index
    %get3A_14 = arith.constant 0 : index
    %get3A_15 = vector.load %arg0[%get3A_11, %get3A_12, %get3A_13, %get3A_14] : memref<3x4x8x1024xf32, #tpu.memory_space<vmem>>, vector<1x4x8x1024xf32>
    %get3A_16 = vector.shape_cast %get3A_15 : vector<1x4x8x1024xf32> to vector<4x8x1024xf32>
    %iota3A = tpu.iota {dimensions = array<i32: 1>} : vector<4x8x1024xi32>
    %iota3A_17 = tpu.iota {dimensions = array<i32: 2>} : vector<4x8x1024xi32>
    %mul3A = arith.constant 1024 : i32
    %mul3A_18 = vector.broadcast %mul3A : i32 to vector<4x8x1024xi32>
    %mul3A_19 = arith.muli %iota3A, %mul3A_18 : vector<4x8x1024xi32>
    %add3A = arith.addi %mul3A_19, %iota3A_17 : vector<4x8x1024xi32>
    %get3A_20 = arith.constant 0 : index
    %get3A_21 = arith.constant 0 : index
    %get3A_22 = vector.load %arg1[%get3A_20, %get3A_21] : memref<1x4xi32, #tpu.memory_space<vmem>>, vector<1x4xi32>
    %get3A_23 = vector.shape_cast %get3A_22 : vector<1x4xi32> to vector<4xi32>
    %reshape3A = vector.shape_cast %get3A_23 : vector<4xi32> to vector<4x1x1xi32>
    %broadcast_in_dim3A = arith.constant 1.000000e+10 : f32
    %broadcast_in_dim3A_24 = vector.broadcast %broadcast_in_dim3A : f32 to vector<4x8x1024xf32>
    %scan3A = arith.constant 0 : i32
    %scan3A_25 = arith.constant 1024 : i32
    %scan3A_26 = arith.addi %scan3A, %scan3A_25 : i32
    %scan3A_27 = arith.constant 2 : i32
    %scan3A_28:2 = scf.for %scan3A_30 = %scan3A to %scan3A_26 step %scan3A_27 iter_args(%scan3A_31 = %reshape3A, %scan3A_32 = %broadcast_in_dim3A_24) -> (vector<4x1x1xi32>, vector<4x8x1024xf32>)  : i32 {
      %eq3A = vector.broadcast %scan3A_31 : vector<4x1x1xi32> to vector<4x8x1024xi32>
      %eq3A_33 = arith.cmpi eq, %add3A, %eq3A : vector<4x8x1024xi32>
      %broadcast_in_dim3A_34 = vector.shape_cast %eq3A_33 : vector<4x8x1024xi1> to vector<1x4x8x1024xi1>
      %get3A_35 = arith.constant 0 : index
      %get3A_36 = arith.constant 0 : index
      %get3A_37 = arith.constant 0 : index
      %get3A_38 = arith.constant 0 : index
      %get3A_39 = vector.load %arg0[%get3A_35, %get3A_36, %get3A_37, %get3A_38] : memref<3x4x8x1024xf32, #tpu.memory_space<vmem>>, vector<3x4x8x1024xf32>
      %jit3A = arith.constant 0xFF800000 : f32
      %broadcast_in_dim3A_40 = vector.shape_cast %broadcast_in_dim3A_34 : vector<1x4x8x1024xi1> to vector<1x4x8x1024xi1>
      %broadcast_in_dim3A_41 = vector.broadcast %broadcast_in_dim3A_40 : vector<1x4x8x1024xi1> to vector<3x4x8x1024xi1>
      %broadcast_in_dim3A_42 = vector.broadcast %jit3A : f32 to vector<3x4x8x1024xf32>
      %select_n3A = arith.select %broadcast_in_dim3A_41, %get3A_39, %broadcast_in_dim3A_42 : vector<3x4x8x1024xi1>, vector<3x4x8x1024xf32>
      %reduce_max3A = arith.constant dense<0xFF800000> : vector<3x4x8xf32>
      %reduce_max3A_43 = vector.multi_reduction <maximumf>, %select_n3A, %reduce_max3A [3] : vector<3x4x8x1024xf32> to vector<3x4x8xf32>
      %broadcast_in_dim3A_44 = vector.shape_cast %reduce_max3A_43 : vector<3x4x8xf32> to vector<3x4x8x1xf32>
      %reduce_max3A_45 = arith.constant dense<0xFF800000> : vector<3x4x1xf32>
      %reduce_max3A_46 = vector.multi_reduction <maximumf>, %broadcast_in_dim3A_44, %reduce_max3A_45 [2] : vector<3x4x8x1xf32> to vector<3x4x1xf32>
      %broadcast_in_dim3A_47 = vector.shape_cast %reduce_max3A_46 : vector<3x4x1xf32> to vector<3x4x1x1xf32>
      %slice3A = vector.extract_strided_slice %broadcast_in_dim3A_47 {offsets = [0, 0, 0, 0], sizes = [1, 4, 1, 1], strides = [1, 1, 1, 1]} : vector<3x4x1x1xf32> to vector<1x4x1x1xf32>
      %squeeze3A = vector.shape_cast %slice3A : vector<1x4x1x1xf32> to vector<4x1x1xf32>
      %slice3A_48 = vector.extract_strided_slice %broadcast_in_dim3A_47 {offsets = [1, 0, 0, 0], sizes = [1, 4, 1, 1], strides = [1, 1, 1, 1]} : vector<3x4x1x1xf32> to vector<1x4x1x1xf32>
      %squeeze3A_49 = vector.shape_cast %slice3A_48 : vector<1x4x1x1xf32> to vector<4x1x1xf32>
      %slice3A_50 = vector.extract_strided_slice %broadcast_in_dim3A_47 {offsets = [2, 0, 0, 0], sizes = [1, 4, 1, 1], strides = [1, 1, 1, 1]} : vector<3x4x1x1xf32> to vector<1x4x1x1xf32>
      %squeeze3A_51 = vector.shape_cast %slice3A_50 : vector<1x4x1x1xf32> to vector<4x1x1xf32>
      %concatenate3A = tpu.concatenate %squeeze3A, %squeeze3A_49, %squeeze3A_51 in 2 : vector<4x1x1xf32>, vector<4x1x1xf32>, vector<4x1x1xf32> -> vector<4x1x3xf32>
      %swap3A = arith.constant 0 : index
      %swap3A_52 = arith.index_cast %scan3A_30 : i32 to index
      %swap3A_53 = arith.constant 0 : index
      %swap3A_54 = vector.load %arg2[%swap3A, %swap3A_52, %swap3A_53] : memref<4x1024x3xf32, #tpu.memory_space<vmem>>, vector<4x1x3xf32>
      tpu.vector_store %arg2[%swap3A, %swap3A_52, %swap3A_53], %concatenate3A {strides = array<i32>} : memref<4x1024x3xf32, #tpu.memory_space<vmem>>, vector<4x1x3xf32>,
      %slice3A_55 = vector.extract_strided_slice %broadcast_in_dim3A_47 {offsets = [0, 0, 0, 0], sizes = [1, 4, 1, 1], strides = [1, 1, 1, 1]} : vector<3x4x1x1xf32> to vector<1x4x1x1xf32>
      %squeeze3A_56 = vector.shape_cast %slice3A_55 : vector<1x4x1x1xf32> to vector<4x1x1xf32>
      %sub3A = vector.broadcast %squeeze3A_56 : vector<4x1x1xf32> to vector<4x8x1024xf32>
      %sub3A_57 = arith.subf %get3A_4, %sub3A : vector<4x8x1024xf32>
      %integer_pow3A = arith.mulf %sub3A_57, %sub3A_57 : vector<4x8x1024xf32>
      %slice3A_58 = vector.extract_strided_slice %broadcast_in_dim3A_47 {offsets = [1, 0, 0, 0], sizes = [1, 4, 1, 1], strides = [1, 1, 1, 1]} : vector<3x4x1x1xf32> to vector<1x4x1x1xf32>
      %squeeze3A_59 = vector.shape_cast %slice3A_58 : vector<1x4x1x1xf32> to vector<4x1x1xf32>
      %sub3A_60 = vector.broadcast %squeeze3A_59 : vector<4x1x1xf32> to vector<4x8x1024xf32>
      %sub3A_61 = arith.subf %get3A_10, %sub3A_60 : vector<4x8x1024xf32>
      %integer_pow3A_62 = arith.mulf %sub3A_61, %sub3A_61 : vector<4x8x1024xf32>
      %add3A_63 = arith.addf %integer_pow3A, %integer_pow3A_62 : vector<4x8x1024xf32>
      %slice3A_64 = vector.extract_strided_slice %broadcast_in_dim3A_47 {offsets = [2, 0, 0, 0], sizes = [1, 4, 1, 1], strides = [1, 1, 1, 1]} : vector<3x4x1x1xf32> to vector<1x4x1x1xf32>
      %squeeze3A_65 = vector.shape_cast %slice3A_64 : vector<1x4x1x1xf32> to vector<4x1x1xf32>
      %sub3A_66 = vector.broadcast %squeeze3A_65 : vector<4x1x1xf32> to vector<4x8x1024xf32>
      %sub3A_67 = arith.subf %get3A_16, %sub3A_66 : vector<4x8x1024xf32>
      %integer_pow3A_68 = arith.mulf %sub3A_67, %sub3A_67 : vector<4x8x1024xf32>
      %add3A_69 = arith.addf %add3A_63, %integer_pow3A_68 : vector<4x8x1024xf32>
      %min3A = arith.minimumf %scan3A_32, %add3A_69 : vector<4x8x1024xf32>
      %reduce_max3A_70 = arith.constant dense<0xFF800000> : vector<4x8xf32>
      %reduce_max3A_71 = vector.multi_reduction <maximumf>, %min3A, %reduce_max3A_70 [2] : vector<4x8x1024xf32> to vector<4x8xf32>
      %broadcast_in_dim3A_72 = vector.shape_cast %reduce_max3A_71 : vector<4x8xf32> to vector<4x8x1xf32>
      %reduce_max3A_73 = arith.constant dense<0xFF800000> : vector<4x1xf32>
      %reduce_max3A_74 = vector.multi_reduction <maximumf>, %broadcast_in_dim3A_72, %reduce_max3A_73 [1] : vector<4x8x1xf32> to vector<4x1xf32>
      %broadcast_in_dim3A_75 = vector.shape_cast %reduce_max3A_74 : vector<4x1xf32> to vector<4x1x1xf32>
      %eq3A_76 = vector.broadcast %broadcast_in_dim3A_75 : vector<4x1x1xf32> to vector<4x8x1024xf32>
      %eq3A_77 = arith.cmpf oeq, %min3A, %eq3A_76 : vector<4x8x1024xf32>
      %jit3A_78 = arith.constant 8192 : i32
      %broadcast_in_dim3A_79 = vector.broadcast %jit3A_78 : i32 to vector<4x8x1024xi32>
      %select_n3A_80 = arith.select %eq3A_77, %add3A, %broadcast_in_dim3A_79 : vector<4x8x1024xi1>, vector<4x8x1024xi32>
      %reduce_min3A = arith.constant dense<2147483647> : vector<4x8xi32>
      %reduce_min3A_81 = vector.multi_reduction <minsi>, %select_n3A_80, %reduce_min3A [2] : vector<4x8x1024xi32> to vector<4x8xi32>
      %broadcast_in_dim3A_82 = vector.shape_cast %reduce_min3A_81 : vector<4x8xi32> to vector<4x8x1xi32>
      %reduce_min3A_83 = arith.constant dense<2147483647> : vector<4x1xi32>
      %reduce_min3A_84 = vector.multi_reduction <minsi>, %broadcast_in_dim3A_82, %reduce_min3A_83 [1] : vector<4x8x1xi32> to vector<4x1xi32>
      %broadcast_in_dim3A_85 = vector.shape_cast %reduce_min3A_84 : vector<4x1xi32> to vector<4x1x1xi32>
      %scan3A_86 = arith.constant 1 : i32
      %scan3A_87 = arith.addi %scan3A_30, %scan3A_86 : i32
      %eq3A_88 = vector.broadcast %broadcast_in_dim3A_85 : vector<4x1x1xi32> to vector<4x8x1024xi32>
      %eq3A_89 = arith.cmpi eq, %add3A, %eq3A_88 : vector<4x8x1024xi32>
      %broadcast_in_dim3A_90 = vector.shape_cast %eq3A_89 : vector<4x8x1024xi1> to vector<1x4x8x1024xi1>
      %get3A_91 = arith.constant 0 : index
      %get3A_92 = arith.constant 0 : index
      %get3A_93 = arith.constant 0 : index
      %get3A_94 = arith.constant 0 : index
      %get3A_95 = vector.load %arg0[%get3A_91, %get3A_92, %get3A_93, %get3A_94] : memref<3x4x8x1024xf32, #tpu.memory_space<vmem>>, vector<3x4x8x1024xf32>
      %jit3A_96 = arith.constant 0xFF800000 : f32
      %broadcast_in_dim3A_97 = vector.shape_cast %broadcast_in_dim3A_90 : vector<1x4x8x1024xi1> to vector<1x4x8x1024xi1>
      %broadcast_in_dim3A_98 = vector.broadcast %broadcast_in_dim3A_97 : vector<1x4x8x1024xi1> to vector<3x4x8x1024xi1>
      %broadcast_in_dim3A_99 = vector.broadcast %jit3A_96 : f32 to vector<3x4x8x1024xf32>
      %select_n3A_100 = arith.select %broadcast_in_dim3A_98, %get3A_95, %broadcast_in_dim3A_99 : vector<3x4x8x1024xi1>, vector<3x4x8x1024xf32>
      %reduce_max3A_101 = arith.constant dense<0xFF800000> : vector<3x4x8xf32>
      %reduce_max3A_102 = vector.multi_reduction <maximumf>, %select_n3A_100, %reduce_max3A_101 [3] : vector<3x4x8x1024xf32> to vector<3x4x8xf32>
      %broadcast_in_dim3A_103 = vector.shape_cast %reduce_max3A_102 : vector<3x4x8xf32> to vector<3x4x8x1xf32>
      %reduce_max3A_104 = arith.constant dense<0xFF800000> : vector<3x4x1xf32>
      %reduce_max3A_105 = vector.multi_reduction <maximumf>, %broadcast_in_dim3A_103, %reduce_max3A_104 [2] : vector<3x4x8x1xf32> to vector<3x4x1xf32>
      %broadcast_in_dim3A_106 = vector.shape_cast %reduce_max3A_105 : vector<3x4x1xf32> to vector<3x4x1x1xf32>
      %slice3A_107 = vector.extract_strided_slice %broadcast_in_dim3A_106 {offsets = [0, 0, 0, 0], sizes = [1, 4, 1, 1], strides = [1, 1, 1, 1]} : vector<3x4x1x1xf32> to vector<1x4x1x1xf32>
      %squeeze3A_108 = vector.shape_cast %slice3A_107 : vector<1x4x1x1xf32> to vector<4x1x1xf32>
      %slice3A_109 = vector.extract_strided_slice %broadcast_in_dim3A_106 {offsets = [1, 0, 0, 0], sizes = [1, 4, 1, 1], strides = [1, 1, 1, 1]} : vector<3x4x1x1xf32> to vector<1x4x1x1xf32>
      %squeeze3A_110 = vector.shape_cast %slice3A_109 : vector<1x4x1x1xf32> to vector<4x1x1xf32>
      %slice3A_111 = vector.extract_strided_slice %broadcast_in_dim3A_106 {offsets = [2, 0, 0, 0], sizes = [1, 4, 1, 1], strides = [1, 1, 1, 1]} : vector<3x4x1x1xf32> to vector<1x4x1x1xf32>
      %squeeze3A_112 = vector.shape_cast %slice3A_111 : vector<1x4x1x1xf32> to vector<4x1x1xf32>
      %concatenate3A_113 = tpu.concatenate %squeeze3A_108, %squeeze3A_110, %squeeze3A_112 in 2 : vector<4x1x1xf32>, vector<4x1x1xf32>, vector<4x1x1xf32> -> vector<4x1x3xf32>
      %swap3A_114 = arith.constant 0 : index
      %swap3A_115 = arith.index_cast %scan3A_87 : i32 to index
      %swap3A_116 = arith.constant 0 : index
      %swap3A_117 = vector.load %arg2[%swap3A_114, %swap3A_115, %swap3A_116] : memref<4x1024x3xf32, #tpu.memory_space<vmem>>, vector<4x1x3xf32>
      tpu.vector_store %arg2[%swap3A_114, %swap3A_115, %swap3A_116], %concatenate3A_113 {strides = array<i32>} : memref<4x1024x3xf32, #tpu.memory_space<vmem>>, vector<4x1x3xf32>,
      %slice3A_118 = vector.extract_strided_slice %broadcast_in_dim3A_106 {offsets = [0, 0, 0, 0], sizes = [1, 4, 1, 1], strides = [1, 1, 1, 1]} : vector<3x4x1x1xf32> to vector<1x4x1x1xf32>
      %squeeze3A_119 = vector.shape_cast %slice3A_118 : vector<1x4x1x1xf32> to vector<4x1x1xf32>
      %sub3A_120 = vector.broadcast %squeeze3A_119 : vector<4x1x1xf32> to vector<4x8x1024xf32>
      %sub3A_121 = arith.subf %get3A_4, %sub3A_120 : vector<4x8x1024xf32>
      %integer_pow3A_122 = arith.mulf %sub3A_121, %sub3A_121 : vector<4x8x1024xf32>
      %slice3A_123 = vector.extract_strided_slice %broadcast_in_dim3A_106 {offsets = [1, 0, 0, 0], sizes = [1, 4, 1, 1], strides = [1, 1, 1, 1]} : vector<3x4x1x1xf32> to vector<1x4x1x1xf32>
      %squeeze3A_124 = vector.shape_cast %slice3A_123 : vector<1x4x1x1xf32> to vector<4x1x1xf32>
      %sub3A_125 = vector.broadcast %squeeze3A_124 : vector<4x1x1xf32> to vector<4x8x1024xf32>
      %sub3A_126 = arith.subf %get3A_10, %sub3A_125 : vector<4x8x1024xf32>
      %integer_pow3A_127 = arith.mulf %sub3A_126, %sub3A_126 : vector<4x8x1024xf32>
      %add3A_128 = arith.addf %integer_pow3A_122, %integer_pow3A_127 : vector<4x8x1024xf32>
      %slice3A_129 = vector.extract_strided_slice %broadcast_in_dim3A_106 {offsets = [2, 0, 0, 0], sizes = [1, 4, 1, 1], strides = [1, 1, 1, 1]} : vector<3x4x1x1xf32> to vector<1x4x1x1xf32>
      %squeeze3A_130 = vector.shape_cast %slice3A_129 : vector<1x4x1x1xf32> to vector<4x1x1xf32>
      %sub3A_131 = vector.broadcast %squeeze3A_130 : vector<4x1x1xf32> to vector<4x8x1024xf32>
      %sub3A_132 = arith.subf %get3A_16, %sub3A_131 : vector<4x8x1024xf32>
      %integer_pow3A_133 = arith.mulf %sub3A_132, %sub3A_132 : vector<4x8x1024xf32>
      %add3A_134 = arith.addf %add3A_128, %integer_pow3A_133 : vector<4x8x1024xf32>
      %min3A_135 = arith.minimumf %min3A, %add3A_134 : vector<4x8x1024xf32>
      %reduce_max3A_136 = arith.constant dense<0xFF800000> : vector<4x8xf32>
      %reduce_max3A_137 = vector.multi_reduction <maximumf>, %min3A_135, %reduce_max3A_136 [2] : vector<4x8x1024xf32> to vector<4x8xf32>
      %broadcast_in_dim3A_138 = vector.shape_cast %reduce_max3A_137 : vector<4x8xf32> to vector<4x8x1xf32>
      %reduce_max3A_139 = arith.constant dense<0xFF800000> : vector<4x1xf32>
      %reduce_max3A_140 = vector.multi_reduction <maximumf>, %broadcast_in_dim3A_138, %reduce_max3A_139 [1] : vector<4x8x1xf32> to vector<4x1xf32>
      %broadcast_in_dim3A_141 = vector.shape_cast %reduce_max3A_140 : vector<4x1xf32> to vector<4x1x1xf32>
      %eq3A_142 = vector.broadcast %broadcast_in_dim3A_141 : vector<4x1x1xf32> to vector<4x8x1024xf32>
      %eq3A_143 = arith.cmpf oeq, %min3A_135, %eq3A_142 : vector<4x8x1024xf32>
      %jit3A_144 = arith.constant 8192 : i32
      %broadcast_in_dim3A_145 = vector.broadcast %jit3A_144 : i32 to vector<4x8x1024xi32>
      %select_n3A_146 = arith.select %eq3A_143, %add3A, %broadcast_in_dim3A_145 : vector<4x8x1024xi1>, vector<4x8x1024xi32>
      %reduce_min3A_147 = arith.constant dense<2147483647> : vector<4x8xi32>
      %reduce_min3A_148 = vector.multi_reduction <minsi>, %select_n3A_146, %reduce_min3A_147 [2] : vector<4x8x1024xi32> to vector<4x8xi32>
      %broadcast_in_dim3A_149 = vector.shape_cast %reduce_min3A_148 : vector<4x8xi32> to vector<4x8x1xi32>
      %reduce_min3A_150 = arith.constant dense<2147483647> : vector<4x1xi32>
      %reduce_min3A_151 = vector.multi_reduction <minsi>, %broadcast_in_dim3A_149, %reduce_min3A_150 [1] : vector<4x8x1xi32> to vector<4x1xi32>
      %broadcast_in_dim3A_152 = vector.shape_cast %reduce_min3A_151 : vector<4x1xi32> to vector<4x1x1xi32>
      scf.yield %broadcast_in_dim3A_152, %min3A_135 : vector<4x1x1xi32>, vector<4x8x1024xf32>
    }
    %scan3A_29 = arith.constant 1024 : i32
    return
  }
}

module attributes {stable_mosaic.version = 14 : i64} {
  func.func @_select_body(%arg0: i32, %arg1: i32, %arg2: memref<1x256x3xf32, #tpu.memory_space<vmem>>, %arg3: memref<1x3x8192xf32, #tpu.memory_space<vmem>>, %arg4: memref<1x256x32xi32, #tpu.memory_space<vmem>>, %arg5: memref<256x8192xi32, #tpu.memory_space<vmem>>) attributes {dimension_semantics = [#tpu.dimension_semantics<arbitrary>, #tpu.dimension_semantics<arbitrary>], iteration_bounds = array<i64: 4, 4>, scalar_prefetch = 0 : i64, scratch_operands = 1 : i64, tpu.core_type = #tpu.core_type<tc>, window_params = [{transform_indices = @transform_0, window_bounds = array<i64: 1, 256, 3>}, {transform_indices = @transform_1, window_bounds = array<i64: 1, 3, 8192>}, {transform_indices = @transform_2, window_bounds = array<i64: 1, 256, 32>}]} {
    %get3A = arith.constant 0 : index
    %get3A_0 = arith.constant 0 : index
    %get3A_1 = arith.constant 0 : index
    %get3A_2 = vector.load %arg3[%get3A, %get3A_0, %get3A_1] : memref<1x3x8192xf32, #tpu.memory_space<vmem>>, vector<1x1x8192xf32>
    %get3A_3 = vector.shape_cast %get3A_2 : vector<1x1x8192xf32> to vector<1x8192xf32>
    %get3A_4 = arith.constant 0 : index
    %get3A_5 = arith.constant 1 : index
    %get3A_6 = arith.constant 0 : index
    %get3A_7 = vector.load %arg3[%get3A_4, %get3A_5, %get3A_6] : memref<1x3x8192xf32, #tpu.memory_space<vmem>>, vector<1x1x8192xf32>
    %get3A_8 = vector.shape_cast %get3A_7 : vector<1x1x8192xf32> to vector<1x8192xf32>
    %get3A_9 = arith.constant 0 : index
    %get3A_10 = arith.constant 2 : index
    %get3A_11 = arith.constant 0 : index
    %get3A_12 = vector.load %arg3[%get3A_9, %get3A_10, %get3A_11] : memref<1x3x8192xf32, #tpu.memory_space<vmem>>, vector<1x1x8192xf32>
    %get3A_13 = vector.shape_cast %get3A_12 : vector<1x1x8192xf32> to vector<1x8192xf32>
    %get3A_14 = arith.constant 0 : index
    %get3A_15 = arith.constant 0 : index
    %get3A_16 = arith.constant 0 : index
    %get3A_17 = vector.load %arg2[%get3A_14, %get3A_15, %get3A_16] : memref<1x256x3xf32, #tpu.memory_space<vmem>>, vector<1x256x1xf32>
    %get3A_18 = vector.shape_cast %get3A_17 : vector<1x256x1xf32> to vector<256x1xf32>
    %get3A_19 = arith.constant 0 : index
    %get3A_20 = arith.constant 0 : index
    %get3A_21 = arith.constant 1 : index
    %get3A_22 = vector.load %arg2[%get3A_19, %get3A_20, %get3A_21] : memref<1x256x3xf32, #tpu.memory_space<vmem>>, vector<1x256x1xf32>
    %get3A_23 = vector.shape_cast %get3A_22 : vector<1x256x1xf32> to vector<256x1xf32>
    %get3A_24 = arith.constant 0 : index
    %get3A_25 = arith.constant 0 : index
    %get3A_26 = arith.constant 2 : index
    %get3A_27 = vector.load %arg2[%get3A_24, %get3A_25, %get3A_26] : memref<1x256x3xf32, #tpu.memory_space<vmem>>, vector<1x256x1xf32>
    %get3A_28 = vector.shape_cast %get3A_27 : vector<1x256x1xf32> to vector<256x1xf32>
    %mul3A = arith.mulf %get3A_3, %get3A_3 : vector<1x8192xf32>
    %mul3A_29 = arith.mulf %get3A_8, %get3A_8 : vector<1x8192xf32>
    %add3A = arith.addf %mul3A, %mul3A_29 : vector<1x8192xf32>
    %mul3A_30 = arith.mulf %get3A_13, %get3A_13 : vector<1x8192xf32>
    %add3A_31 = arith.addf %add3A, %mul3A_30 : vector<1x8192xf32>
    %mul3A_32 = arith.mulf %get3A_18, %get3A_18 : vector<256x1xf32>
    %mul3A_33 = arith.mulf %get3A_23, %get3A_23 : vector<256x1xf32>
    %add3A_34 = arith.addf %mul3A_32, %mul3A_33 : vector<256x1xf32>
    %mul3A_35 = arith.mulf %get3A_28, %get3A_28 : vector<256x1xf32>
    %add3A_36 = arith.addf %add3A_34, %mul3A_35 : vector<256x1xf32>
    %bitcast_convert_type3A = tpu.bitcast %get3A_18 : vector<256x1xf32> -> vector<256x1xi32>
    %add3A_37 = arith.constant 32767 : i32
    %add3A_38 = vector.broadcast %add3A_37 : i32 to vector<256x1xi32>
    %add3A_39 = arith.addi %bitcast_convert_type3A, %add3A_38 : vector<256x1xi32>
    %shift_right_arithmetic3A = arith.constant 16 : i32
    %shift_right_arithmetic3A_40 = vector.broadcast %shift_right_arithmetic3A : i32 to vector<256x1xi32>
    %shift_right_arithmetic3A_41 = arith.shrsi %bitcast_convert_type3A, %shift_right_arithmetic3A_40 : vector<256x1xi32>
    %and3A = arith.constant 1 : i32
    %and3A_42 = vector.broadcast %and3A : i32 to vector<256x1xi32>
    %and3A_43 = arith.andi %shift_right_arithmetic3A_41, %and3A_42 : vector<256x1xi32>
    %add3A_44 = arith.addi %add3A_39, %and3A_43 : vector<256x1xi32>
    %and3A_45 = arith.constant -65536 : i32
    %and3A_46 = vector.broadcast %and3A_45 : i32 to vector<256x1xi32>
    %and3A_47 = arith.andi %add3A_44, %and3A_46 : vector<256x1xi32>
    %bitcast_convert_type3A_48 = tpu.bitcast %and3A_47 : vector<256x1xi32> -> vector<256x1xf32>
    %bitcast_convert_type3A_49 = tpu.bitcast %get3A_3 : vector<1x8192xf32> -> vector<1x8192xi32>
    %add3A_50 = arith.constant 32767 : i32
    %add3A_51 = vector.broadcast %add3A_50 : i32 to vector<1x8192xi32>
    %add3A_52 = arith.addi %bitcast_convert_type3A_49, %add3A_51 : vector<1x8192xi32>
    %shift_right_arithmetic3A_53 = arith.constant 16 : i32
    %shift_right_arithmetic3A_54 = vector.broadcast %shift_right_arithmetic3A_53 : i32 to vector<1x8192xi32>
    %shift_right_arithmetic3A_55 = arith.shrsi %bitcast_convert_type3A_49, %shift_right_arithmetic3A_54 : vector<1x8192xi32>
    %and3A_56 = arith.constant 1 : i32
    %and3A_57 = vector.broadcast %and3A_56 : i32 to vector<1x8192xi32>
    %and3A_58 = arith.andi %shift_right_arithmetic3A_55, %and3A_57 : vector<1x8192xi32>
    %add3A_59 = arith.addi %add3A_52, %and3A_58 : vector<1x8192xi32>
    %and3A_60 = arith.constant -65536 : i32
    %and3A_61 = vector.broadcast %and3A_60 : i32 to vector<1x8192xi32>
    %and3A_62 = arith.andi %add3A_59, %and3A_61 : vector<1x8192xi32>
    %bitcast_convert_type3A_63 = tpu.bitcast %and3A_62 : vector<1x8192xi32> -> vector<1x8192xf32>
    %mul3A_64 = vector.broadcast %bitcast_convert_type3A_48 : vector<256x1xf32> to vector<256x8192xf32>
    %mul3A_65 = vector.broadcast %bitcast_convert_type3A_63 : vector<1x8192xf32> to vector<256x8192xf32>
    %mul3A_66 = arith.mulf %mul3A_64, %mul3A_65 : vector<256x8192xf32>
    %bitcast_convert_type3A_67 = tpu.bitcast %get3A_23 : vector<256x1xf32> -> vector<256x1xi32>
    %add3A_68 = arith.constant 32767 : i32
    %add3A_69 = vector.broadcast %add3A_68 : i32 to vector<256x1xi32>
    %add3A_70 = arith.addi %bitcast_convert_type3A_67, %add3A_69 : vector<256x1xi32>
    %shift_right_arithmetic3A_71 = arith.constant 16 : i32
    %shift_right_arithmetic3A_72 = vector.broadcast %shift_right_arithmetic3A_71 : i32 to vector<256x1xi32>
    %shift_right_arithmetic3A_73 = arith.shrsi %bitcast_convert_type3A_67, %shift_right_arithmetic3A_72 : vector<256x1xi32>
    %and3A_74 = arith.constant 1 : i32
    %and3A_75 = vector.broadcast %and3A_74 : i32 to vector<256x1xi32>
    %and3A_76 = arith.andi %shift_right_arithmetic3A_73, %and3A_75 : vector<256x1xi32>
    %add3A_77 = arith.addi %add3A_70, %and3A_76 : vector<256x1xi32>
    %and3A_78 = arith.constant -65536 : i32
    %and3A_79 = vector.broadcast %and3A_78 : i32 to vector<256x1xi32>
    %and3A_80 = arith.andi %add3A_77, %and3A_79 : vector<256x1xi32>
    %bitcast_convert_type3A_81 = tpu.bitcast %and3A_80 : vector<256x1xi32> -> vector<256x1xf32>
    %bitcast_convert_type3A_82 = tpu.bitcast %get3A_8 : vector<1x8192xf32> -> vector<1x8192xi32>
    %add3A_83 = arith.constant 32767 : i32
    %add3A_84 = vector.broadcast %add3A_83 : i32 to vector<1x8192xi32>
    %add3A_85 = arith.addi %bitcast_convert_type3A_82, %add3A_84 : vector<1x8192xi32>
    %shift_right_arithmetic3A_86 = arith.constant 16 : i32
    %shift_right_arithmetic3A_87 = vector.broadcast %shift_right_arithmetic3A_86 : i32 to vector<1x8192xi32>
    %shift_right_arithmetic3A_88 = arith.shrsi %bitcast_convert_type3A_82, %shift_right_arithmetic3A_87 : vector<1x8192xi32>
    %and3A_89 = arith.constant 1 : i32
    %and3A_90 = vector.broadcast %and3A_89 : i32 to vector<1x8192xi32>
    %and3A_91 = arith.andi %shift_right_arithmetic3A_88, %and3A_90 : vector<1x8192xi32>
    %add3A_92 = arith.addi %add3A_85, %and3A_91 : vector<1x8192xi32>
    %and3A_93 = arith.constant -65536 : i32
    %and3A_94 = vector.broadcast %and3A_93 : i32 to vector<1x8192xi32>
    %and3A_95 = arith.andi %add3A_92, %and3A_94 : vector<1x8192xi32>
    %bitcast_convert_type3A_96 = tpu.bitcast %and3A_95 : vector<1x8192xi32> -> vector<1x8192xf32>
    %mul3A_97 = vector.broadcast %bitcast_convert_type3A_81 : vector<256x1xf32> to vector<256x8192xf32>
    %mul3A_98 = vector.broadcast %bitcast_convert_type3A_96 : vector<1x8192xf32> to vector<256x8192xf32>
    %mul3A_99 = arith.mulf %mul3A_97, %mul3A_98 : vector<256x8192xf32>
    %add3A_100 = arith.addf %mul3A_66, %mul3A_99 : vector<256x8192xf32>
    %bitcast_convert_type3A_101 = tpu.bitcast %get3A_28 : vector<256x1xf32> -> vector<256x1xi32>
    %add3A_102 = arith.constant 32767 : i32
    %add3A_103 = vector.broadcast %add3A_102 : i32 to vector<256x1xi32>
    %add3A_104 = arith.addi %bitcast_convert_type3A_101, %add3A_103 : vector<256x1xi32>
    %shift_right_arithmetic3A_105 = arith.constant 16 : i32
    %shift_right_arithmetic3A_106 = vector.broadcast %shift_right_arithmetic3A_105 : i32 to vector<256x1xi32>
    %shift_right_arithmetic3A_107 = arith.shrsi %bitcast_convert_type3A_101, %shift_right_arithmetic3A_106 : vector<256x1xi32>
    %and3A_108 = arith.constant 1 : i32
    %and3A_109 = vector.broadcast %and3A_108 : i32 to vector<256x1xi32>
    %and3A_110 = arith.andi %shift_right_arithmetic3A_107, %and3A_109 : vector<256x1xi32>
    %add3A_111 = arith.addi %add3A_104, %and3A_110 : vector<256x1xi32>
    %and3A_112 = arith.constant -65536 : i32
    %and3A_113 = vector.broadcast %and3A_112 : i32 to vector<256x1xi32>
    %and3A_114 = arith.andi %add3A_111, %and3A_113 : vector<256x1xi32>
    %bitcast_convert_type3A_115 = tpu.bitcast %and3A_114 : vector<256x1xi32> -> vector<256x1xf32>
    %bitcast_convert_type3A_116 = tpu.bitcast %get3A_13 : vector<1x8192xf32> -> vector<1x8192xi32>
    %add3A_117 = arith.constant 32767 : i32
    %add3A_118 = vector.broadcast %add3A_117 : i32 to vector<1x8192xi32>
    %add3A_119 = arith.addi %bitcast_convert_type3A_116, %add3A_118 : vector<1x8192xi32>
    %shift_right_arithmetic3A_120 = arith.constant 16 : i32
    %shift_right_arithmetic3A_121 = vector.broadcast %shift_right_arithmetic3A_120 : i32 to vector<1x8192xi32>
    %shift_right_arithmetic3A_122 = arith.shrsi %bitcast_convert_type3A_116, %shift_right_arithmetic3A_121 : vector<1x8192xi32>
    %and3A_123 = arith.constant 1 : i32
    %and3A_124 = vector.broadcast %and3A_123 : i32 to vector<1x8192xi32>
    %and3A_125 = arith.andi %shift_right_arithmetic3A_122, %and3A_124 : vector<1x8192xi32>
    %add3A_126 = arith.addi %add3A_119, %and3A_125 : vector<1x8192xi32>
    %and3A_127 = arith.constant -65536 : i32
    %and3A_128 = vector.broadcast %and3A_127 : i32 to vector<1x8192xi32>
    %and3A_129 = arith.andi %add3A_126, %and3A_128 : vector<1x8192xi32>
    %bitcast_convert_type3A_130 = tpu.bitcast %and3A_129 : vector<1x8192xi32> -> vector<1x8192xf32>
    %mul3A_131 = vector.broadcast %bitcast_convert_type3A_115 : vector<256x1xf32> to vector<256x8192xf32>
    %mul3A_132 = vector.broadcast %bitcast_convert_type3A_130 : vector<1x8192xf32> to vector<256x8192xf32>
    %mul3A_133 = arith.mulf %mul3A_131, %mul3A_132 : vector<256x8192xf32>
    %add3A_134 = arith.addf %add3A_100, %mul3A_133 : vector<256x8192xf32>
    %add3A_135 = vector.broadcast %add3A_36 : vector<256x1xf32> to vector<256x8192xf32>
    %add3A_136 = vector.broadcast %add3A_31 : vector<1x8192xf32> to vector<256x8192xf32>
    %add3A_137 = arith.addf %add3A_135, %add3A_136 : vector<256x8192xf32>
    %mul3A_138 = arith.constant 2.000000e+00 : f32
    %mul3A_139 = vector.broadcast %mul3A_138 : f32 to vector<256x8192xf32>
    %mul3A_140 = arith.mulf %mul3A_139, %add3A_134 : vector<256x8192xf32>
    %sub3A = arith.subf %add3A_137, %mul3A_140 : vector<256x8192xf32>
    %max3A = arith.constant 0.000000e+00 : f32
    %max3A_141 = vector.broadcast %max3A : f32 to vector<256x8192xf32>
    %max3A_142 = arith.maximumf %sub3A, %max3A_141 : vector<256x8192xf32>
    %sqrt3A = math.sqrt %max3A_142 : vector<256x8192xf32>
    %iota3A = tpu.iota {dimensions = array<i32: 1>} : vector<256x8192xi32>
    %bitcast_convert_type3A_143 = tpu.bitcast %sqrt3A : vector<256x8192xf32> -> vector<256x8192xi32>
    %and3A_144 = arith.constant -8192 : i32
    %and3A_145 = vector.broadcast %and3A_144 : i32 to vector<256x8192xi32>
    %and3A_146 = arith.andi %bitcast_convert_type3A_143, %and3A_145 : vector<256x8192xi32>
    %or3A = arith.ori %and3A_146, %iota3A : vector<256x8192xi32>
    %reduce_min3A = arith.constant dense<2147483647> : vector<256xi32>
    %reduce_min3A_147 = vector.multi_reduction <minsi>, %or3A, %reduce_min3A [1] : vector<256x8192xi32> to vector<256xi32>
    %broadcast_in_dim3A = vector.shape_cast %reduce_min3A_147 : vector<256xi32> to vector<256x1xi32>
    %and3A_148 = arith.constant 8191 : i32
    %and3A_149 = vector.broadcast %and3A_148 : i32 to vector<256x1xi32>
    %and3A_150 = arith.andi %broadcast_in_dim3A, %and3A_149 : vector<256x1xi32>
    %le3A = arith.constant 2.000000e-01 : f32
    %le3A_151 = vector.broadcast %le3A : f32 to vector<256x8192xf32>
    %le3A_152 = arith.cmpf ole, %sqrt3A, %le3A_151 : vector<256x8192xf32>
    %jit3A = arith.constant 2147483647 : i32
    %broadcast_in_dim3A_153 = vector.broadcast %jit3A : i32 to vector<256x8192xi32>
    %select_n3A = arith.select %le3A_152, %or3A, %broadcast_in_dim3A_153 : vector<256x8192xi1>, vector<256x8192xi32>
    %swap3A = arith.constant 0 : index
    %swap3A_154 = arith.constant 0 : index
    %swap3A_155 = vector.load %arg5[%swap3A, %swap3A_154] : memref<256x8192xi32, #tpu.memory_space<vmem>>, vector<256x8192xi32>
    tpu.vector_store %arg5[%swap3A, %swap3A_154], %select_n3A {strides = array<i32>} : memref<256x8192xi32, #tpu.memory_space<vmem>>, vector<256x8192xi32>,
    %iota3A_156 = tpu.iota {dimensions = array<i32: 1>} : vector<256x32xi32>
    %broadcast_in_dim3A_157 = arith.constant 0 : i32
    %broadcast_in_dim3A_158 = vector.broadcast %broadcast_in_dim3A_157 : i32 to vector<256x32xi32>
    %broadcast_in_dim3A_159 = arith.constant -1 : i32
    %broadcast_in_dim3A_160 = vector.broadcast %broadcast_in_dim3A_159 : i32 to vector<256x1xi32>
    %scan3A = arith.constant 0 : i32
    %scan3A_161 = arith.constant 32 : i32
    %scan3A_162 = arith.addi %scan3A, %scan3A_161 : i32
    %scan3A_163 = arith.constant 1 : i32
    %scan3A_164:2 = scf.for %scan3A_176 = %scan3A to %scan3A_162 step %scan3A_163 iter_args(%scan3A_177 = %broadcast_in_dim3A_158, %scan3A_178 = %broadcast_in_dim3A_160) -> (vector<256x32xi32>, vector<256x1xi32>)  : i32 {
      %get3A_179 = arith.constant 0 : index
      %get3A_180 = arith.constant 0 : index
      %get3A_181 = vector.load %arg5[%get3A_179, %get3A_180] : memref<256x8192xi32, #tpu.memory_space<vmem>>, vector<256x8192xi32>
      %gt3A = vector.broadcast %scan3A_178 : vector<256x1xi32> to vector<256x8192xi32>
      %gt3A_182 = arith.cmpi sgt, %get3A_181, %gt3A : vector<256x8192xi32>
      %jit3A_183 = arith.constant 2147483647 : i32
      %broadcast_in_dim3A_184 = vector.broadcast %jit3A_183 : i32 to vector<256x8192xi32>
      %select_n3A_185 = arith.select %gt3A_182, %get3A_181, %broadcast_in_dim3A_184 : vector<256x8192xi1>, vector<256x8192xi32>
      %reduce_min3A_186 = arith.constant dense<2147483647> : vector<256xi32>
      %reduce_min3A_187 = vector.multi_reduction <minsi>, %select_n3A_185, %reduce_min3A_186 [1] : vector<256x8192xi32> to vector<256xi32>
      %broadcast_in_dim3A_188 = vector.shape_cast %reduce_min3A_187 : vector<256xi32> to vector<256x1xi32>
      %ne3A = arith.constant 2147483647 : i32
      %ne3A_189 = vector.broadcast %ne3A : i32 to vector<256x1xi32>
      %ne3A_190 = arith.cmpi ne, %broadcast_in_dim3A_188, %ne3A_189 : vector<256x1xi32>
      %and3A_191 = arith.constant 8191 : i32
      %and3A_192 = vector.broadcast %and3A_191 : i32 to vector<256x1xi32>
      %and3A_193 = arith.andi %broadcast_in_dim3A_188, %and3A_192 : vector<256x1xi32>
      %select_n3A_194 = arith.select %ne3A_190, %and3A_193, %and3A_150 : vector<256x1xi1>, vector<256x1xi32>
      %eq3A = vector.broadcast %scan3A_176 : i32 to vector<256x32xi32>
      %eq3A_195 = arith.cmpi eq, %iota3A_156, %eq3A : vector<256x32xi32>
      %broadcast_in_dim3A_196 = vector.shape_cast %select_n3A_194 : vector<256x1xi32> to vector<256x1xi32>
      %broadcast_in_dim3A_197 = vector.broadcast %broadcast_in_dim3A_196 : vector<256x1xi32> to vector<256x32xi32>
      %select_n3A_198 = arith.select %eq3A_195, %broadcast_in_dim3A_197, %scan3A_177 : vector<256x32xi1>, vector<256x32xi32>
      scf.yield %select_n3A_198, %broadcast_in_dim3A_188 : vector<256x32xi32>, vector<256x1xi32>
    }
    %scan3A_165 = arith.constant 32 : i32
    %mul3A_166 = arith.constant 8192 : i32
    %mul3A_167 = arith.muli %arg0, %mul3A_166 : i32
    %add3A_168 = vector.broadcast %mul3A_167 : i32 to vector<256x32xi32>
    %add3A_169 = arith.addi %scan3A_164#0, %add3A_168 : vector<256x32xi32>
    %swap3A_170 = arith.constant 0 : index
    %swap3A_171 = arith.constant 0 : index
    %swap3A_172 = arith.constant 0 : index
    %swap3A_173 = vector.load %arg4[%swap3A_170, %swap3A_171, %swap3A_172] : memref<1x256x32xi32, #tpu.memory_space<vmem>>, vector<1x256x32xi32>
    %swap3A_174 = vector.shape_cast %swap3A_173 : vector<1x256x32xi32> to vector<256x32xi32>
    %swap3A_175 = vector.shape_cast %add3A_169 : vector<256x32xi32> to vector<1x256x32xi32>
    tpu.vector_store %arg4[%swap3A_170, %swap3A_171, %swap3A_172], %swap3A_175 {strides = array<i32>} : memref<1x256x32xi32, #tpu.memory_space<vmem>>, vector<1x256x32xi32>,
    return
  }
  func.func @transform_0(%arg0: i32, %arg1: i32) -> (i32, i32, i32) {
    %c0_i32 = arith.constant 0 : i32
    %c0_i32_0 = arith.constant 0 : i32
    return %arg0, %arg1, %c0_i32 : i32, i32, i32
  }
  func.func @transform_1(%arg0: i32, %arg1: i32) -> (i32, i32, i32) {
    %c0_i32 = arith.constant 0 : i32
    %c0_i32_0 = arith.constant 0 : i32
    %c0_i32_1 = arith.constant 0 : i32
    return %arg0, %c0_i32, %c0_i32_0 : i32, i32, i32
  }
  func.func @transform_2(%arg0: i32, %arg1: i32) -> (i32, i32, i32) {
    %c0_i32 = arith.constant 0 : i32
    %c0_i32_0 = arith.constant 0 : i32
    return %arg0, %arg1, %c0_i32 : i32, i32, i32
  }
}

module attributes {stable_mosaic.version = 14 : i64} {
  func.func @_mlp_body(%arg0: i32, %arg1: i32, %arg2: memref<8192x16xf32, #tpu.memory_space<vmem>>, %arg3: memref<256x3xf32, #tpu.memory_space<vmem>>, %arg4: memref<16x32xf32, #tpu.memory_space<vmem>>, %arg5: memref<1x32xf32, #tpu.memory_space<vmem>>, %arg6: memref<1x32xf32, #tpu.memory_space<vmem>>, %arg7: memref<1x32xf32, #tpu.memory_space<vmem>>, %arg8: memref<32x32xf32, #tpu.memory_space<vmem>>, %arg9: memref<1x32xf32, #tpu.memory_space<vmem>>, %arg10: memref<1x32xf32, #tpu.memory_space<vmem>>, %arg11: memref<1x32xf32, #tpu.memory_space<vmem>>, %arg12: memref<32x64xf32, #tpu.memory_space<vmem>>, %arg13: memref<1x64xf32, #tpu.memory_space<vmem>>, %arg14: memref<1x64xf32, #tpu.memory_space<vmem>>, %arg15: memref<1x64xf32, #tpu.memory_space<vmem>>, %arg16: memref<256x64xf32, #tpu.memory_space<vmem>>, %arg17: memref<1x16xf32, #tpu.memory_space<vmem>>, %arg18: memref<16x16xf32, #tpu.memory_space<vmem>>, %arg19: memref<1x32xf32, #tpu.memory_space<vmem>>, %arg20: memref<32x32xf32, #tpu.memory_space<vmem>>, %arg21: memref<1x32xf32, #tpu.memory_space<vmem>>, %arg22: memref<32x32xf32, #tpu.memory_space<vmem>>) attributes {dimension_semantics = [#tpu.dimension_semantics<arbitrary>, #tpu.dimension_semantics<arbitrary>], iteration_bounds = array<i64: 4, 16>, scalar_prefetch = 0 : i64, scratch_operands = 6 : i64, tpu.core_type = #tpu.core_type<tc>, window_params = [{transform_indices = @transform_0, window_bounds = array<i64: 8192, 16>}, {transform_indices = @transform_1, window_bounds = array<i64: 256, 3>}, {pipeline_mode = #tpu.pipeline_mode<synchronous>, transform_indices = @transform_2, window_bounds = array<i64: 16, 32>}, {pipeline_mode = #tpu.pipeline_mode<synchronous>, transform_indices = @transform_3, window_bounds = array<i64: 1, 32>}, {pipeline_mode = #tpu.pipeline_mode<synchronous>, transform_indices = @transform_4, window_bounds = array<i64: 1, 32>}, {pipeline_mode = #tpu.pipeline_mode<synchronous>, transform_indices = @transform_5, window_bounds = array<i64: 1, 32>}, {pipeline_mode = #tpu.pipeline_mode<synchronous>, transform_indices = @transform_6, window_bounds = array<i64: 32, 32>}, {pipeline_mode = #tpu.pipeline_mode<synchronous>, transform_indices = @transform_7, window_bounds = array<i64: 1, 32>}, {pipeline_mode = #tpu.pipeline_mode<synchronous>, transform_indices = @transform_8, window_bounds = array<i64: 1, 32>}, {pipeline_mode = #tpu.pipeline_mode<synchronous>, transform_indices = @transform_9, window_bounds = array<i64: 1, 32>}, {pipeline_mode = #tpu.pipeline_mode<synchronous>, transform_indices = @transform_10, window_bounds = array<i64: 32, 64>}, {pipeline_mode = #tpu.pipeline_mode<synchronous>, transform_indices = @transform_11, window_bounds = array<i64: 1, 64>}, {pipeline_mode = #tpu.pipeline_mode<synchronous>, transform_indices = @transform_12, window_bounds = array<i64: 1, 64>}, {pipeline_mode = #tpu.pipeline_mode<synchronous>, transform_indices = @transform_13, window_bounds = array<i64: 1, 64>}, {transform_indices = @transform_14, window_bounds = array<i64: 256, 64>}]} {
    %eq3A = arith.constant 0 : i32
    %eq3A_0 = arith.cmpi eq, %arg0, %eq3A : i32
    %convert_element_type3A = arith.extui %eq3A_0 : i1 to i32
    %cond3A = arith.constant 0 : i32
    %cond3A_1 = arith.cmpi ne, %convert_element_type3A, %cond3A : i32
    scf.if %cond3A_1 {
      %get3A = arith.constant 0 : index
      %get3A_17 = arith.constant 0 : index
      %get3A_18 = vector.load %arg3[%get3A, %get3A_17] : memref<256x3xf32, #tpu.memory_space<vmem>>, vector<256x3xf32>
      %broadcast_in_dim3A = arith.constant 0.000000e+00 : f32
      %broadcast_in_dim3A_19 = vector.broadcast %broadcast_in_dim3A : f32 to vector<256x13xf32>
      %concatenate3A = tpu.concatenate %get3A_18, %broadcast_in_dim3A_19 in 1 : vector<256x3xf32>, vector<256x13xf32> -> vector<256x16xf32>
      %get3A_20 = arith.constant 0 : index
      %get3A_21 = arith.constant 0 : index
      %get3A_22 = vector.load %arg2[%get3A_20, %get3A_21] : memref<8192x16xf32, #tpu.memory_space<vmem>>, vector<8192x16xf32>
      %reshape3A = vector.shape_cast %get3A_22 : vector<8192x16xf32> to vector<256x32x16xf32>
      %broadcast_in_dim3A_23 = vector.shape_cast %concatenate3A : vector<256x16xf32> to vector<256x1x16xf32>
      %sub3A = vector.broadcast %broadcast_in_dim3A_23 : vector<256x1x16xf32> to vector<256x32x16xf32>
      %sub3A_24 = arith.subf %reshape3A, %sub3A : vector<256x32x16xf32>
      %reshape3A_25 = vector.shape_cast %sub3A_24 : vector<256x32x16xf32> to vector<8192x16xf32>
      %eq3A_26 = arith.constant 0 : i32
      %eq3A_27 = arith.cmpi eq, %arg1, %eq3A_26 : i32
      %convert_element_type3A_28 = arith.extui %eq3A_27 : i1 to i32
      %cond3A_29 = arith.constant 0 : i32
      %cond3A_30 = arith.cmpi ne, %convert_element_type3A_28, %cond3A_29 : i32
      scf.if %cond3A_30 {
        %broadcast_in_dim3A_46 = arith.constant 0.000000e+00 : f32
        %broadcast_in_dim3A_47 = vector.broadcast %broadcast_in_dim3A_46 : f32 to vector<1x16xf32>
        %swap3A_48 = arith.constant 0 : index
        %swap3A_49 = arith.constant 0 : index
        %swap3A_50 = vector.load %arg17[%swap3A_48, %swap3A_49] : memref<1x16xf32, #tpu.memory_space<vmem>>, vector<1x16xf32>
        tpu.vector_store %arg17[%swap3A_48, %swap3A_49], %broadcast_in_dim3A_47 {strides = array<i32>} : memref<1x16xf32, #tpu.memory_space<vmem>>, vector<1x16xf32>,
        %broadcast_in_dim3A_51 = arith.constant 0.000000e+00 : f32
        %broadcast_in_dim3A_52 = vector.broadcast %broadcast_in_dim3A_51 : f32 to vector<16x16xf32>
        %swap3A_53 = arith.constant 0 : index
        %swap3A_54 = arith.constant 0 : index
        %swap3A_55 = vector.load %arg18[%swap3A_53, %swap3A_54] : memref<16x16xf32, #tpu.memory_space<vmem>>, vector<16x16xf32>
        tpu.vector_store %arg18[%swap3A_53, %swap3A_54], %broadcast_in_dim3A_52 {strides = array<i32>} : memref<16x16xf32, #tpu.memory_space<vmem>>, vector<16x16xf32>,
      } else {
      }
      %get3A_31 = arith.constant 0 : index
      %get3A_32 = arith.constant 0 : index
      %get3A_33 = vector.load %arg17[%get3A_31, %get3A_32] : memref<1x16xf32, #tpu.memory_space<vmem>>, vector<1x16xf32>
      %reduce_sum3A = arith.constant dense<0.000000e+00> : vector<16xf32>
      %reduce_sum3A_34 = vector.multi_reduction <add>, %reshape3A_25, %reduce_sum3A [0] : vector<8192x16xf32> to vector<16xf32>
      %broadcast_in_dim3A_35 = vector.shape_cast %reduce_sum3A_34 : vector<16xf32> to vector<1x16xf32>
      %add3A = arith.addf %get3A_33, %broadcast_in_dim3A_35 : vector<1x16xf32>
      %swap3A = arith.constant 0 : index
      %swap3A_36 = arith.constant 0 : index
      %swap3A_37 = vector.load %arg17[%swap3A, %swap3A_36] : memref<1x16xf32, #tpu.memory_space<vmem>>, vector<1x16xf32>
      tpu.vector_store %arg17[%swap3A, %swap3A_36], %add3A {strides = array<i32>} : memref<1x16xf32, #tpu.memory_space<vmem>>, vector<1x16xf32>,
      %get3A_38 = arith.constant 0 : index
      %get3A_39 = arith.constant 0 : index
      %get3A_40 = vector.load %arg18[%get3A_38, %get3A_39] : memref<16x16xf32, #tpu.memory_space<vmem>>, vector<16x16xf32>
      %dot_general3A = arith.constant dense<0.000000e+00> : vector<16x16xf32>
      %dot_general3A_41 = tpu.matmul %reshape3A_25, %reshape3A_25, %dot_general3A {dimension_numbers = #tpu.dot_dimension_numbers<[0], [0], [1], [1], [0, 1, 1, 1], [], []>, transpose_lhs_hint = false} : vector<8192x16xf32>, vector<8192x16xf32>, vector<16x16xf32> -> vector<16x16xf32>
      %add3A_42 = arith.addf %get3A_40, %dot_general3A_41 : vector<16x16xf32>
      %swap3A_43 = arith.constant 0 : index
      %swap3A_44 = arith.constant 0 : index
      %swap3A_45 = vector.load %arg18[%swap3A_43, %swap3A_44] : memref<16x16xf32, #tpu.memory_space<vmem>>, vector<16x16xf32>
      tpu.vector_store %arg18[%swap3A_43, %swap3A_44], %add3A_42 {strides = array<i32>} : memref<16x16xf32, #tpu.memory_space<vmem>>, vector<16x16xf32>,
    } else {
    }
    %eq3A_2 = arith.constant 1 : i32
    %eq3A_3 = arith.cmpi eq, %arg0, %eq3A_2 : i32
    %convert_element_type3A_4 = arith.extui %eq3A_3 : i1 to i32
    %cond3A_5 = arith.constant 0 : i32
    %cond3A_6 = arith.cmpi ne, %convert_element_type3A_4, %cond3A_5 : i32
    scf.if %cond3A_6 {
      %get3A = arith.constant 0 : index
      %get3A_17 = arith.constant 0 : index
      %get3A_18 = vector.load %arg3[%get3A, %get3A_17] : memref<256x3xf32, #tpu.memory_space<vmem>>, vector<256x3xf32>
      %broadcast_in_dim3A = arith.constant 0.000000e+00 : f32
      %broadcast_in_dim3A_19 = vector.broadcast %broadcast_in_dim3A : f32 to vector<256x13xf32>
      %concatenate3A = tpu.concatenate %get3A_18, %broadcast_in_dim3A_19 in 1 : vector<256x3xf32>, vector<256x13xf32> -> vector<256x16xf32>
      %get3A_20 = arith.constant 0 : index
      %get3A_21 = arith.constant 0 : index
      %get3A_22 = vector.load %arg2[%get3A_20, %get3A_21] : memref<8192x16xf32, #tpu.memory_space<vmem>>, vector<8192x16xf32>
      %reshape3A = vector.shape_cast %get3A_22 : vector<8192x16xf32> to vector<256x32x16xf32>
      %broadcast_in_dim3A_23 = vector.shape_cast %concatenate3A : vector<256x16xf32> to vector<256x1x16xf32>
      %sub3A = vector.broadcast %broadcast_in_dim3A_23 : vector<256x1x16xf32> to vector<256x32x16xf32>
      %sub3A_24 = arith.subf %reshape3A, %sub3A : vector<256x32x16xf32>
      %reshape3A_25 = vector.shape_cast %sub3A_24 : vector<256x32x16xf32> to vector<8192x16xf32>
      %get3A_26 = arith.constant 0 : index
      %get3A_27 = arith.constant 0 : index
      %get3A_28 = vector.load %arg17[%get3A_26, %get3A_27] : memref<1x16xf32, #tpu.memory_space<vmem>>, vector<1x16xf32>
      %get3A_29 = arith.constant 0 : index
      %get3A_30 = arith.constant 0 : index
      %get3A_31 = vector.load %arg18[%get3A_29, %get3A_30] : memref<16x16xf32, #tpu.memory_space<vmem>>, vector<16x16xf32>
      %get3A_32 = arith.constant 0 : index
      %get3A_33 = arith.constant 0 : index
      %get3A_34 = vector.load %arg4[%get3A_32, %get3A_33] : memref<16x32xf32, #tpu.memory_space<vmem>>, vector<16x32xf32>
      %get3A_35 = arith.constant 0 : index
      %get3A_36 = arith.constant 0 : index
      %get3A_37 = vector.load %arg5[%get3A_35, %get3A_36] : memref<1x32xf32, #tpu.memory_space<vmem>>, vector<1x32xf32>
      %get3A_38 = arith.constant 0 : index
      %get3A_39 = arith.constant 0 : index
      %get3A_40 = vector.load %arg6[%get3A_38, %get3A_39] : memref<1x32xf32, #tpu.memory_space<vmem>>, vector<1x32xf32>
      %get3A_41 = arith.constant 0 : index
      %get3A_42 = arith.constant 0 : index
      %get3A_43 = vector.load %arg7[%get3A_41, %get3A_42] : memref<1x32xf32, #tpu.memory_space<vmem>>, vector<1x32xf32>
      %div3A = arith.constant 1.310720e+05 : f32
      %div3A_44 = vector.broadcast %div3A : f32 to vector<1x16xf32>
      %div3A_45 = arith.divf %get3A_28, %div3A_44 : vector<1x16xf32>
      %dot_general3A = arith.constant dense<0.000000e+00> : vector<1x32xf32>
      %dot_general3A_46 = tpu.matmul %div3A_45, %get3A_34, %dot_general3A {dimension_numbers = #tpu.dot_dimension_numbers<[1], [0], [0], [1], [0, 0, 1, 1], [], []>, transpose_lhs_hint = false} : vector<1x16xf32>, vector<16x32xf32>, vector<1x32xf32> -> vector<1x32xf32>
      %add3A = arith.addf %dot_general3A_46, %get3A_37 : vector<1x32xf32>
      %div3A_47 = arith.constant 1.310720e+05 : f32
      %div3A_48 = vector.broadcast %div3A_47 : f32 to vector<16x16xf32>
      %div3A_49 = arith.divf %get3A_31, %div3A_48 : vector<16x16xf32>
      %dot_general3A_50 = arith.constant dense<0.000000e+00> : vector<16x32xf32>
      %dot_general3A_51 = tpu.matmul %div3A_49, %get3A_34, %dot_general3A_50 {dimension_numbers = #tpu.dot_dimension_numbers<[1], [0], [0], [1], [0, 0, 1, 1], [], []>, transpose_lhs_hint = false} : vector<16x16xf32>, vector<16x32xf32>, vector<16x32xf32> -> vector<16x32xf32>
      %mul3A = arith.mulf %get3A_34, %dot_general3A_51 : vector<16x32xf32>
      %reduce_sum3A = arith.constant dense<0.000000e+00> : vector<32xf32>
      %reduce_sum3A_52 = vector.multi_reduction <add>, %mul3A, %reduce_sum3A [0] : vector<16x32xf32> to vector<32xf32>
      %broadcast_in_dim3A_53 = vector.shape_cast %reduce_sum3A_52 : vector<32xf32> to vector<1x32xf32>
      %mul3A_54 = arith.constant 2.000000e+00 : f32
      %mul3A_55 = vector.broadcast %mul3A_54 : f32 to vector<1x32xf32>
      %mul3A_56 = arith.mulf %mul3A_55, %get3A_37 : vector<1x32xf32>
      %sub3A_57 = arith.subf %add3A, %get3A_37 : vector<1x32xf32>
      %mul3A_58 = arith.mulf %mul3A_56, %sub3A_57 : vector<1x32xf32>
      %add3A_59 = arith.addf %broadcast_in_dim3A_53, %mul3A_58 : vector<1x32xf32>
      %mul3A_60 = arith.mulf %get3A_37, %get3A_37 : vector<1x32xf32>
      %add3A_61 = arith.addf %add3A_59, %mul3A_60 : vector<1x32xf32>
      %mul3A_62 = arith.mulf %add3A, %add3A : vector<1x32xf32>
      %sub3A_63 = arith.subf %add3A_61, %mul3A_62 : vector<1x32xf32>
      %add3A_64 = arith.constant 9.99999974E-6 : f32
      %add3A_65 = vector.broadcast %add3A_64 : f32 to vector<1x32xf32>
      %add3A_66 = arith.addf %sub3A_63, %add3A_65 : vector<1x32xf32>
      %sqrt3A = math.sqrt %add3A_66 : vector<1x32xf32>
      %div3A_67 = arith.divf %get3A_40, %sqrt3A : vector<1x32xf32>
      %mul3A_68 = arith.mulf %add3A, %div3A_67 : vector<1x32xf32>
      %sub3A_69 = arith.subf %get3A_43, %mul3A_68 : vector<1x32xf32>
      %get3A_70 = arith.constant 0 : index
      %get3A_71 = arith.constant 0 : index
      %get3A_72 = vector.load %arg4[%get3A_70, %get3A_71] : memref<16x32xf32, #tpu.memory_space<vmem>>, vector<16x32xf32>
      %convert_element_type3A_73 = arith.truncf %reshape3A_25 : vector<8192x16xf32> to vector<8192x16xbf16>
      %convert_element_type3A_74 = arith.truncf %get3A_72 : vector<16x32xf32> to vector<16x32xbf16>
      %dot_general3A_75 = arith.constant dense<0.000000e+00> : vector<8192x32xf32>
      %dot_general3A_76 = tpu.matmul %convert_element_type3A_73, %convert_element_type3A_74, %dot_general3A_75 {dimension_numbers = #tpu.dot_dimension_numbers<[1], [0], [0], [1], [0, 0, 1, 1], [], []>, transpose_lhs_hint = false} : vector<8192x16xbf16>, vector<16x32xbf16>, vector<8192x32xf32> -> vector<8192x32xf32>
      %mul3A_77 = vector.broadcast %div3A_67 : vector<1x32xf32> to vector<8192x32xf32>
      %mul3A_78 = arith.mulf %dot_general3A_76, %mul3A_77 : vector<8192x32xf32>
      %add3A_79 = vector.broadcast %sub3A_69 : vector<1x32xf32> to vector<8192x32xf32>
      %add3A_80 = arith.addf %mul3A_78, %add3A_79 : vector<8192x32xf32>
      %max3A = arith.constant 0.000000e+00 : f32
      %max3A_81 = vector.broadcast %max3A : f32 to vector<8192x32xf32>
      %max3A_82 = arith.maximumf %add3A_80, %max3A_81 : vector<8192x32xf32>
      %eq3A_83 = arith.constant 0 : i32
      %eq3A_84 = arith.cmpi eq, %arg1, %eq3A_83 : i32
      %convert_element_type3A_85 = arith.extui %eq3A_84 : i1 to i32
      %cond3A_86 = arith.constant 0 : i32
      %cond3A_87 = arith.cmpi ne, %convert_element_type3A_85, %cond3A_86 : i32
      scf.if %cond3A_87 {
        %broadcast_in_dim3A_106 = arith.constant 0.000000e+00 : f32
        %broadcast_in_dim3A_107 = vector.broadcast %broadcast_in_dim3A_106 : f32 to vector<1x32xf32>
        %swap3A_108 = arith.constant 0 : index
        %swap3A_109 = arith.constant 0 : index
        %swap3A_110 = vector.load %arg19[%swap3A_108, %swap3A_109] : memref<1x32xf32, #tpu.memory_space<vmem>>, vector<1x32xf32>
        tpu.vector_store %arg19[%swap3A_108, %swap3A_109], %broadcast_in_dim3A_107 {strides = array<i32>} : memref<1x32xf32, #tpu.memory_space<vmem>>, vector<1x32xf32>,
        %broadcast_in_dim3A_111 = arith.constant 0.000000e+00 : f32
        %broadcast_in_dim3A_112 = vector.broadcast %broadcast_in_dim3A_111 : f32 to vector<32x32xf32>
        %swap3A_113 = arith.constant 0 : index
        %swap3A_114 = arith.constant 0 : index
        %swap3A_115 = vector.load %arg20[%swap3A_113, %swap3A_114] : memref<32x32xf32, #tpu.memory_space<vmem>>, vector<32x32xf32>
        tpu.vector_store %arg20[%swap3A_113, %swap3A_114], %broadcast_in_dim3A_112 {strides = array<i32>} : memref<32x32xf32, #tpu.memory_space<vmem>>, vector<32x32xf32>,
      } else {
      }
      %get3A_88 = arith.constant 0 : index
      %get3A_89 = arith.constant 0 : index
      %get3A_90 = vector.load %arg19[%get3A_88, %get3A_89] : memref<1x32xf32, #tpu.memory_space<vmem>>, vector<1x32xf32>
      %reduce_sum3A_91 = arith.constant dense<0.000000e+00> : vector<32xf32>
      %reduce_sum3A_92 = vector.multi_reduction <add>, %max3A_82, %reduce_sum3A_91 [0] : vector<8192x32xf32> to vector<32xf32>
      %broadcast_in_dim3A_93 = vector.shape_cast %reduce_sum3A_92 : vector<32xf32> to vector<1x32xf32>
      %add3A_94 = arith.addf %get3A_90, %broadcast_in_dim3A_93 : vector<1x32xf32>
      %swap3A = arith.constant 0 : index
      %swap3A_95 = arith.constant 0 : index
      %swap3A_96 = vector.load %arg19[%swap3A, %swap3A_95] : memref<1x32xf32, #tpu.memory_space<vmem>>, vector<1x32xf32>
      tpu.vector_store %arg19[%swap3A, %swap3A_95], %add3A_94 {strides = array<i32>} : memref<1x32xf32, #tpu.memory_space<vmem>>, vector<1x32xf32>,
      %get3A_97 = arith.constant 0 : index
      %get3A_98 = arith.constant 0 : index
      %get3A_99 = vector.load %arg20[%get3A_97, %get3A_98] : memref<32x32xf32, #tpu.memory_space<vmem>>, vector<32x32xf32>
      %dot_general3A_100 = arith.constant dense<0.000000e+00> : vector<32x32xf32>
      %dot_general3A_101 = tpu.matmul %max3A_82, %max3A_82, %dot_general3A_100 {dimension_numbers = #tpu.dot_dimension_numbers<[0], [0], [1], [1], [0, 1, 1, 1], [], []>, transpose_lhs_hint = false} : vector<8192x32xf32>, vector<8192x32xf32>, vector<32x32xf32> -> vector<32x32xf32>
      %add3A_102 = arith.addf %get3A_99, %dot_general3A_101 : vector<32x32xf32>
      %swap3A_103 = arith.constant 0 : index
      %swap3A_104 = arith.constant 0 : index
      %swap3A_105 = vector.load %arg20[%swap3A_103, %swap3A_104] : memref<32x32xf32, #tpu.memory_space<vmem>>, vector<32x32xf32>
      tpu.vector_store %arg20[%swap3A_103, %swap3A_104], %add3A_102 {strides = array<i32>} : memref<32x32xf32, #tpu.memory_space<vmem>>, vector<32x32xf32>,
    } else {
    }
    %eq3A_7 = arith.constant 2 : i32
    %eq3A_8 = arith.cmpi eq, %arg0, %eq3A_7 : i32
    %convert_element_type3A_9 = arith.extui %eq3A_8 : i1 to i32
    %cond3A_10 = arith.constant 0 : i32
    %cond3A_11 = arith.cmpi ne, %convert_element_type3A_9, %cond3A_10 : i32
    scf.if %cond3A_11 {
      %get3A = arith.constant 0 : index
      %get3A_17 = arith.constant 0 : index
      %get3A_18 = vector.load %arg3[%get3A, %get3A_17] : memref<256x3xf32, #tpu.memory_space<vmem>>, vector<256x3xf32>
      %broadcast_in_dim3A = arith.constant 0.000000e+00 : f32
      %broadcast_in_dim3A_19 = vector.broadcast %broadcast_in_dim3A : f32 to vector<256x13xf32>
      %concatenate3A = tpu.concatenate %get3A_18, %broadcast_in_dim3A_19 in 1 : vector<256x3xf32>, vector<256x13xf32> -> vector<256x16xf32>
      %get3A_20 = arith.constant 0 : index
      %get3A_21 = arith.constant 0 : index
      %get3A_22 = vector.load %arg2[%get3A_20, %get3A_21] : memref<8192x16xf32, #tpu.memory_space<vmem>>, vector<8192x16xf32>
      %reshape3A = vector.shape_cast %get3A_22 : vector<8192x16xf32> to vector<256x32x16xf32>
      %broadcast_in_dim3A_23 = vector.shape_cast %concatenate3A : vector<256x16xf32> to vector<256x1x16xf32>
      %sub3A = vector.broadcast %broadcast_in_dim3A_23 : vector<256x1x16xf32> to vector<256x32x16xf32>
      %sub3A_24 = arith.subf %reshape3A, %sub3A : vector<256x32x16xf32>
      %reshape3A_25 = vector.shape_cast %sub3A_24 : vector<256x32x16xf32> to vector<8192x16xf32>
      %get3A_26 = arith.constant 0 : index
      %get3A_27 = arith.constant 0 : index
      %get3A_28 = vector.load %arg17[%get3A_26, %get3A_27] : memref<1x16xf32, #tpu.memory_space<vmem>>, vector<1x16xf32>
      %get3A_29 = arith.constant 0 : index
      %get3A_30 = arith.constant 0 : index
      %get3A_31 = vector.load %arg18[%get3A_29, %get3A_30] : memref<16x16xf32, #tpu.memory_space<vmem>>, vector<16x16xf32>
      %get3A_32 = arith.constant 0 : index
      %get3A_33 = arith.constant 0 : index
      %get3A_34 = vector.load %arg4[%get3A_32, %get3A_33] : memref<16x32xf32, #tpu.memory_space<vmem>>, vector<16x32xf32>
      %get3A_35 = arith.constant 0 : index
      %get3A_36 = arith.constant 0 : index
      %get3A_37 = vector.load %arg5[%get3A_35, %get3A_36] : memref<1x32xf32, #tpu.memory_space<vmem>>, vector<1x32xf32>
      %get3A_38 = arith.constant 0 : index
      %get3A_39 = arith.constant 0 : index
      %get3A_40 = vector.load %arg6[%get3A_38, %get3A_39] : memref<1x32xf32, #tpu.memory_space<vmem>>, vector<1x32xf32>
      %get3A_41 = arith.constant 0 : index
      %get3A_42 = arith.constant 0 : index
      %get3A_43 = vector.load %arg7[%get3A_41, %get3A_42] : memref<1x32xf32, #tpu.memory_space<vmem>>, vector<1x32xf32>
      %div3A = arith.constant 1.310720e+05 : f32
      %div3A_44 = vector.broadcast %div3A : f32 to vector<1x16xf32>
      %div3A_45 = arith.divf %get3A_28, %div3A_44 : vector<1x16xf32>
      %dot_general3A = arith.constant dense<0.000000e+00> : vector<1x32xf32>
      %dot_general3A_46 = tpu.matmul %div3A_45, %get3A_34, %dot_general3A {dimension_numbers = #tpu.dot_dimension_numbers<[1], [0], [0], [1], [0, 0, 1, 1], [], []>, transpose_lhs_hint = false} : vector<1x16xf32>, vector<16x32xf32>, vector<1x32xf32> -> vector<1x32xf32>
      %add3A = arith.addf %dot_general3A_46, %get3A_37 : vector<1x32xf32>
      %div3A_47 = arith.constant 1.310720e+05 : f32
      %div3A_48 = vector.broadcast %div3A_47 : f32 to vector<16x16xf32>
      %div3A_49 = arith.divf %get3A_31, %div3A_48 : vector<16x16xf32>
      %dot_general3A_50 = arith.constant dense<0.000000e+00> : vector<16x32xf32>
      %dot_general3A_51 = tpu.matmul %div3A_49, %get3A_34, %dot_general3A_50 {dimension_numbers = #tpu.dot_dimension_numbers<[1], [0], [0], [1], [0, 0, 1, 1], [], []>, transpose_lhs_hint = false} : vector<16x16xf32>, vector<16x32xf32>, vector<16x32xf32> -> vector<16x32xf32>
      %mul3A = arith.mulf %get3A_34, %dot_general3A_51 : vector<16x32xf32>
      %reduce_sum3A = arith.constant dense<0.000000e+00> : vector<32xf32>
      %reduce_sum3A_52 = vector.multi_reduction <add>, %mul3A, %reduce_sum3A [0] : vector<16x32xf32> to vector<32xf32>
      %broadcast_in_dim3A_53 = vector.shape_cast %reduce_sum3A_52 : vector<32xf32> to vector<1x32xf32>
      %mul3A_54 = arith.constant 2.000000e+00 : f32
      %mul3A_55 = vector.broadcast %mul3A_54 : f32 to vector<1x32xf32>
      %mul3A_56 = arith.mulf %mul3A_55, %get3A_37 : vector<1x32xf32>
      %sub3A_57 = arith.subf %add3A, %get3A_37 : vector<1x32xf32>
      %mul3A_58 = arith.mulf %mul3A_56, %sub3A_57 : vector<1x32xf32>
      %add3A_59 = arith.addf %broadcast_in_dim3A_53, %mul3A_58 : vector<1x32xf32>
      %mul3A_60 = arith.mulf %get3A_37, %get3A_37 : vector<1x32xf32>
      %add3A_61 = arith.addf %add3A_59, %mul3A_60 : vector<1x32xf32>
      %mul3A_62 = arith.mulf %add3A, %add3A : vector<1x32xf32>
      %sub3A_63 = arith.subf %add3A_61, %mul3A_62 : vector<1x32xf32>
      %add3A_64 = arith.constant 9.99999974E-6 : f32
      %add3A_65 = vector.broadcast %add3A_64 : f32 to vector<1x32xf32>
      %add3A_66 = arith.addf %sub3A_63, %add3A_65 : vector<1x32xf32>
      %sqrt3A = math.sqrt %add3A_66 : vector<1x32xf32>
      %div3A_67 = arith.divf %get3A_40, %sqrt3A : vector<1x32xf32>
      %mul3A_68 = arith.mulf %add3A, %div3A_67 : vector<1x32xf32>
      %sub3A_69 = arith.subf %get3A_43, %mul3A_68 : vector<1x32xf32>
      %get3A_70 = arith.constant 0 : index
      %get3A_71 = arith.constant 0 : index
      %get3A_72 = vector.load %arg4[%get3A_70, %get3A_71] : memref<16x32xf32, #tpu.memory_space<vmem>>, vector<16x32xf32>
      %convert_element_type3A_73 = arith.truncf %reshape3A_25 : vector<8192x16xf32> to vector<8192x16xbf16>
      %convert_element_type3A_74 = arith.truncf %get3A_72 : vector<16x32xf32> to vector<16x32xbf16>
      %dot_general3A_75 = arith.constant dense<0.000000e+00> : vector<8192x32xf32>
      %dot_general3A_76 = tpu.matmul %convert_element_type3A_73, %convert_element_type3A_74, %dot_general3A_75 {dimension_numbers = #tpu.dot_dimension_numbers<[1], [0], [0], [1], [0, 0, 1, 1], [], []>, transpose_lhs_hint = false} : vector<8192x16xbf16>, vector<16x32xbf16>, vector<8192x32xf32> -> vector<8192x32xf32>
      %mul3A_77 = vector.broadcast %div3A_67 : vector<1x32xf32> to vector<8192x32xf32>
      %mul3A_78 = arith.mulf %dot_general3A_76, %mul3A_77 : vector<8192x32xf32>
      %add3A_79 = vector.broadcast %sub3A_69 : vector<1x32xf32> to vector<8192x32xf32>
      %add3A_80 = arith.addf %mul3A_78, %add3A_79 : vector<8192x32xf32>
      %max3A = arith.constant 0.000000e+00 : f32
      %max3A_81 = vector.broadcast %max3A : f32 to vector<8192x32xf32>
      %max3A_82 = arith.maximumf %add3A_80, %max3A_81 : vector<8192x32xf32>
      %get3A_83 = arith.constant 0 : index
      %get3A_84 = arith.constant 0 : index
      %get3A_85 = vector.load %arg19[%get3A_83, %get3A_84] : memref<1x32xf32, #tpu.memory_space<vmem>>, vector<1x32xf32>
      %get3A_86 = arith.constant 0 : index
      %get3A_87 = arith.constant 0 : index
      %get3A_88 = vector.load %arg20[%get3A_86, %get3A_87] : memref<32x32xf32, #tpu.memory_space<vmem>>, vector<32x32xf32>
      %get3A_89 = arith.constant 0 : index
      %get3A_90 = arith.constant 0 : index
      %get3A_91 = vector.load %arg8[%get3A_89, %get3A_90] : memref<32x32xf32, #tpu.memory_space<vmem>>, vector<32x32xf32>
      %get3A_92 = arith.constant 0 : index
      %get3A_93 = arith.constant 0 : index
      %get3A_94 = vector.load %arg9[%get3A_92, %get3A_93] : memref<1x32xf32, #tpu.memory_space<vmem>>, vector<1x32xf32>
      %get3A_95 = arith.constant 0 : index
      %get3A_96 = arith.constant 0 : index
      %get3A_97 = vector.load %arg10[%get3A_95, %get3A_96] : memref<1x32xf32, #tpu.memory_space<vmem>>, vector<1x32xf32>
      %get3A_98 = arith.constant 0 : index
      %get3A_99 = arith.constant 0 : index
      %get3A_100 = vector.load %arg11[%get3A_98, %get3A_99] : memref<1x32xf32, #tpu.memory_space<vmem>>, vector<1x32xf32>
      %div3A_101 = arith.constant 1.310720e+05 : f32
      %div3A_102 = vector.broadcast %div3A_101 : f32 to vector<1x32xf32>
      %div3A_103 = arith.divf %get3A_85, %div3A_102 : vector<1x32xf32>
      %dot_general3A_104 = arith.constant dense<0.000000e+00> : vector<1x32xf32>
      %dot_general3A_105 = tpu.matmul %div3A_103, %get3A_91, %dot_general3A_104 {dimension_numbers = #tpu.dot_dimension_numbers<[1], [0], [0], [1], [0, 0, 1, 1], [], []>, transpose_lhs_hint = false} : vector<1x32xf32>, vector<32x32xf32>, vector<1x32xf32> -> vector<1x32xf32>
      %add3A_106 = arith.addf %dot_general3A_105, %get3A_94 : vector<1x32xf32>
      %div3A_107 = arith.constant 1.310720e+05 : f32
      %div3A_108 = vector.broadcast %div3A_107 : f32 to vector<32x32xf32>
      %div3A_109 = arith.divf %get3A_88, %div3A_108 : vector<32x32xf32>
      %dot_general3A_110 = arith.constant dense<0.000000e+00> : vector<32x32xf32>
      %dot_general3A_111 = tpu.matmul %div3A_109, %get3A_91, %dot_general3A_110 {dimension_numbers = #tpu.dot_dimension_numbers<[1], [0], [0], [1], [0, 0, 1, 1], [], []>, transpose_lhs_hint = false} : vector<32x32xf32>, vector<32x32xf32>, vector<32x32xf32> -> vector<32x32xf32>
      %mul3A_112 = arith.mulf %get3A_91, %dot_general3A_111 : vector<32x32xf32>
      %reduce_sum3A_113 = arith.constant dense<0.000000e+00> : vector<32xf32>
      %reduce_sum3A_114 = vector.multi_reduction <add>, %mul3A_112, %reduce_sum3A_113 [0] : vector<32x32xf32> to vector<32xf32>
      %broadcast_in_dim3A_115 = vector.shape_cast %reduce_sum3A_114 : vector<32xf32> to vector<1x32xf32>
      %mul3A_116 = arith.constant 2.000000e+00 : f32
      %mul3A_117 = vector.broadcast %mul3A_116 : f32 to vector<1x32xf32>
      %mul3A_118 = arith.mulf %mul3A_117, %get3A_94 : vector<1x32xf32>
      %sub3A_119 = arith.subf %add3A_106, %get3A_94 : vector<1x32xf32>
      %mul3A_120 = arith.mulf %mul3A_118, %sub3A_119 : vector<1x32xf32>
      %add3A_121 = arith.addf %broadcast_in_dim3A_115, %mul3A_120 : vector<1x32xf32>
      %mul3A_122 = arith.mulf %get3A_94, %get3A_94 : vector<1x32xf32>
      %add3A_123 = arith.addf %add3A_121, %mul3A_122 : vector<1x32xf32>
      %mul3A_124 = arith.mulf %add3A_106, %add3A_106 : vector<1x32xf32>
      %sub3A_125 = arith.subf %add3A_123, %mul3A_124 : vector<1x32xf32>
      %add3A_126 = arith.constant 9.99999974E-6 : f32
      %add3A_127 = vector.broadcast %add3A_126 : f32 to vector<1x32xf32>
      %add3A_128 = arith.addf %sub3A_125, %add3A_127 : vector<1x32xf32>
      %sqrt3A_129 = math.sqrt %add3A_128 : vector<1x32xf32>
      %div3A_130 = arith.divf %get3A_97, %sqrt3A_129 : vector<1x32xf32>
      %mul3A_131 = arith.mulf %add3A_106, %div3A_130 : vector<1x32xf32>
      %sub3A_132 = arith.subf %get3A_100, %mul3A_131 : vector<1x32xf32>
      %get3A_133 = arith.constant 0 : index
      %get3A_134 = arith.constant 0 : index
      %get3A_135 = vector.load %arg8[%get3A_133, %get3A_134] : memref<32x32xf32, #tpu.memory_space<vmem>>, vector<32x32xf32>
      %convert_element_type3A_136 = arith.truncf %max3A_82 : vector<8192x32xf32> to vector<8192x32xbf16>
      %convert_element_type3A_137 = arith.truncf %get3A_135 : vector<32x32xf32> to vector<32x32xbf16>
      %dot_general3A_138 = arith.constant dense<0.000000e+00> : vector<8192x32xf32>
      %dot_general3A_139 = tpu.matmul %convert_element_type3A_136, %convert_element_type3A_137, %dot_general3A_138 {dimension_numbers = #tpu.dot_dimension_numbers<[1], [0], [0], [1], [0, 0, 1, 1], [], []>, transpose_lhs_hint = false} : vector<8192x32xbf16>, vector<32x32xbf16>, vector<8192x32xf32> -> vector<8192x32xf32>
      %mul3A_140 = vector.broadcast %div3A_130 : vector<1x32xf32> to vector<8192x32xf32>
      %mul3A_141 = arith.mulf %dot_general3A_139, %mul3A_140 : vector<8192x32xf32>
      %add3A_142 = vector.broadcast %sub3A_132 : vector<1x32xf32> to vector<8192x32xf32>
      %add3A_143 = arith.addf %mul3A_141, %add3A_142 : vector<8192x32xf32>
      %max3A_144 = arith.constant 0.000000e+00 : f32
      %max3A_145 = vector.broadcast %max3A_144 : f32 to vector<8192x32xf32>
      %max3A_146 = arith.maximumf %add3A_143, %max3A_145 : vector<8192x32xf32>
      %eq3A_147 = arith.constant 0 : i32
      %eq3A_148 = arith.cmpi eq, %arg1, %eq3A_147 : i32
      %convert_element_type3A_149 = arith.extui %eq3A_148 : i1 to i32
      %cond3A_150 = arith.constant 0 : i32
      %cond3A_151 = arith.cmpi ne, %convert_element_type3A_149, %cond3A_150 : i32
      scf.if %cond3A_151 {
        %broadcast_in_dim3A_170 = arith.constant 0.000000e+00 : f32
        %broadcast_in_dim3A_171 = vector.broadcast %broadcast_in_dim3A_170 : f32 to vector<1x32xf32>
        %swap3A_172 = arith.constant 0 : index
        %swap3A_173 = arith.constant 0 : index
        %swap3A_174 = vector.load %arg21[%swap3A_172, %swap3A_173] : memref<1x32xf32, #tpu.memory_space<vmem>>, vector<1x32xf32>
        tpu.vector_store %arg21[%swap3A_172, %swap3A_173], %broadcast_in_dim3A_171 {strides = array<i32>} : memref<1x32xf32, #tpu.memory_space<vmem>>, vector<1x32xf32>,
        %broadcast_in_dim3A_175 = arith.constant 0.000000e+00 : f32
        %broadcast_in_dim3A_176 = vector.broadcast %broadcast_in_dim3A_175 : f32 to vector<32x32xf32>
        %swap3A_177 = arith.constant 0 : index
        %swap3A_178 = arith.constant 0 : index
        %swap3A_179 = vector.load %arg22[%swap3A_177, %swap3A_178] : memref<32x32xf32, #tpu.memory_space<vmem>>, vector<32x32xf32>
        tpu.vector_store %arg22[%swap3A_177, %swap3A_178], %broadcast_in_dim3A_176 {strides = array<i32>} : memref<32x32xf32, #tpu.memory_space<vmem>>, vector<32x32xf32>,
      } else {
      }
      %get3A_152 = arith.constant 0 : index
      %get3A_153 = arith.constant 0 : index
      %get3A_154 = vector.load %arg21[%get3A_152, %get3A_153] : memref<1x32xf32, #tpu.memory_space<vmem>>, vector<1x32xf32>
      %reduce_sum3A_155 = arith.constant dense<0.000000e+00> : vector<32xf32>
      %reduce_sum3A_156 = vector.multi_reduction <add>, %max3A_146, %reduce_sum3A_155 [0] : vector<8192x32xf32> to vector<32xf32>
      %broadcast_in_dim3A_157 = vector.shape_cast %reduce_sum3A_156 : vector<32xf32> to vector<1x32xf32>
      %add3A_158 = arith.addf %get3A_154, %broadcast_in_dim3A_157 : vector<1x32xf32>
      %swap3A = arith.constant 0 : index
      %swap3A_159 = arith.constant 0 : index
      %swap3A_160 = vector.load %arg21[%swap3A, %swap3A_159] : memref<1x32xf32, #tpu.memory_space<vmem>>, vector<1x32xf32>
      tpu.vector_store %arg21[%swap3A, %swap3A_159], %add3A_158 {strides = array<i32>} : memref<1x32xf32, #tpu.memory_space<vmem>>, vector<1x32xf32>,
      %get3A_161 = arith.constant 0 : index
      %get3A_162 = arith.constant 0 : index
      %get3A_163 = vector.load %arg22[%get3A_161, %get3A_162] : memref<32x32xf32, #tpu.memory_space<vmem>>, vector<32x32xf32>
      %dot_general3A_164 = arith.constant dense<0.000000e+00> : vector<32x32xf32>
      %dot_general3A_165 = tpu.matmul %max3A_146, %max3A_146, %dot_general3A_164 {dimension_numbers = #tpu.dot_dimension_numbers<[0], [0], [1], [1], [0, 1, 1, 1], [], []>, transpose_lhs_hint = false} : vector<8192x32xf32>, vector<8192x32xf32>, vector<32x32xf32> -> vector<32x32xf32>
      %add3A_166 = arith.addf %get3A_163, %dot_general3A_165 : vector<32x32xf32>
      %swap3A_167 = arith.constant 0 : index
      %swap3A_168 = arith.constant 0 : index
      %swap3A_169 = vector.load %arg22[%swap3A_167, %swap3A_168] : memref<32x32xf32, #tpu.memory_space<vmem>>, vector<32x32xf32>
      tpu.vector_store %arg22[%swap3A_167, %swap3A_168], %add3A_166 {strides = array<i32>} : memref<32x32xf32, #tpu.memory_space<vmem>>, vector<32x32xf32>,
    } else {
    }
    %eq3A_12 = arith.constant 3 : i32
    %eq3A_13 = arith.cmpi eq, %arg0, %eq3A_12 : i32
    %convert_element_type3A_14 = arith.extui %eq3A_13 : i1 to i32
    %cond3A_15 = arith.constant 0 : i32
    %cond3A_16 = arith.cmpi ne, %convert_element_type3A_14, %cond3A_15 : i32
    scf.if %cond3A_16 {
      %get3A = arith.constant 0 : index
      %get3A_17 = arith.constant 0 : index
      %get3A_18 = vector.load %arg3[%get3A, %get3A_17] : memref<256x3xf32, #tpu.memory_space<vmem>>, vector<256x3xf32>
      %broadcast_in_dim3A = arith.constant 0.000000e+00 : f32
      %broadcast_in_dim3A_19 = vector.broadcast %broadcast_in_dim3A : f32 to vector<256x13xf32>
      %concatenate3A = tpu.concatenate %get3A_18, %broadcast_in_dim3A_19 in 1 : vector<256x3xf32>, vector<256x13xf32> -> vector<256x16xf32>
      %get3A_20 = arith.constant 0 : index
      %get3A_21 = arith.constant 0 : index
      %get3A_22 = vector.load %arg2[%get3A_20, %get3A_21] : memref<8192x16xf32, #tpu.memory_space<vmem>>, vector<8192x16xf32>
      %reshape3A = vector.shape_cast %get3A_22 : vector<8192x16xf32> to vector<256x32x16xf32>
      %broadcast_in_dim3A_23 = vector.shape_cast %concatenate3A : vector<256x16xf32> to vector<256x1x16xf32>
      %sub3A = vector.broadcast %broadcast_in_dim3A_23 : vector<256x1x16xf32> to vector<256x32x16xf32>
      %sub3A_24 = arith.subf %reshape3A, %sub3A : vector<256x32x16xf32>
      %reshape3A_25 = vector.shape_cast %sub3A_24 : vector<256x32x16xf32> to vector<8192x16xf32>
      %get3A_26 = arith.constant 0 : index
      %get3A_27 = arith.constant 0 : index
      %get3A_28 = vector.load %arg17[%get3A_26, %get3A_27] : memref<1x16xf32, #tpu.memory_space<vmem>>, vector<1x16xf32>
      %get3A_29 = arith.constant 0 : index
      %get3A_30 = arith.constant 0 : index
      %get3A_31 = vector.load %arg18[%get3A_29, %get3A_30] : memref<16x16xf32, #tpu.memory_space<vmem>>, vector<16x16xf32>
      %get3A_32 = arith.constant 0 : index
      %get3A_33 = arith.constant 0 : index
      %get3A_34 = vector.load %arg4[%get3A_32, %get3A_33] : memref<16x32xf32, #tpu.memory_space<vmem>>, vector<16x32xf32>
      %get3A_35 = arith.constant 0 : index
      %get3A_36 = arith.constant 0 : index
      %get3A_37 = vector.load %arg5[%get3A_35, %get3A_36] : memref<1x32xf32, #tpu.memory_space<vmem>>, vector<1x32xf32>
      %get3A_38 = arith.constant 0 : index
      %get3A_39 = arith.constant 0 : index
      %get3A_40 = vector.load %arg6[%get3A_38, %get3A_39] : memref<1x32xf32, #tpu.memory_space<vmem>>, vector<1x32xf32>
      %get3A_41 = arith.constant 0 : index
      %get3A_42 = arith.constant 0 : index
      %get3A_43 = vector.load %arg7[%get3A_41, %get3A_42] : memref<1x32xf32, #tpu.memory_space<vmem>>, vector<1x32xf32>
      %div3A = arith.constant 1.310720e+05 : f32
      %div3A_44 = vector.broadcast %div3A : f32 to vector<1x16xf32>
      %div3A_45 = arith.divf %get3A_28, %div3A_44 : vector<1x16xf32>
      %dot_general3A = arith.constant dense<0.000000e+00> : vector<1x32xf32>
      %dot_general3A_46 = tpu.matmul %div3A_45, %get3A_34, %dot_general3A {dimension_numbers = #tpu.dot_dimension_numbers<[1], [0], [0], [1], [0, 0, 1, 1], [], []>, transpose_lhs_hint = false} : vector<1x16xf32>, vector<16x32xf32>, vector<1x32xf32> -> vector<1x32xf32>
      %add3A = arith.addf %dot_general3A_46, %get3A_37 : vector<1x32xf32>
      %div3A_47 = arith.constant 1.310720e+05 : f32
      %div3A_48 = vector.broadcast %div3A_47 : f32 to vector<16x16xf32>
      %div3A_49 = arith.divf %get3A_31, %div3A_48 : vector<16x16xf32>
      %dot_general3A_50 = arith.constant dense<0.000000e+00> : vector<16x32xf32>
      %dot_general3A_51 = tpu.matmul %div3A_49, %get3A_34, %dot_general3A_50 {dimension_numbers = #tpu.dot_dimension_numbers<[1], [0], [0], [1], [0, 0, 1, 1], [], []>, transpose_lhs_hint = false} : vector<16x16xf32>, vector<16x32xf32>, vector<16x32xf32> -> vector<16x32xf32>
      %mul3A = arith.mulf %get3A_34, %dot_general3A_51 : vector<16x32xf32>
      %reduce_sum3A = arith.constant dense<0.000000e+00> : vector<32xf32>
      %reduce_sum3A_52 = vector.multi_reduction <add>, %mul3A, %reduce_sum3A [0] : vector<16x32xf32> to vector<32xf32>
      %broadcast_in_dim3A_53 = vector.shape_cast %reduce_sum3A_52 : vector<32xf32> to vector<1x32xf32>
      %mul3A_54 = arith.constant 2.000000e+00 : f32
      %mul3A_55 = vector.broadcast %mul3A_54 : f32 to vector<1x32xf32>
      %mul3A_56 = arith.mulf %mul3A_55, %get3A_37 : vector<1x32xf32>
      %sub3A_57 = arith.subf %add3A, %get3A_37 : vector<1x32xf32>
      %mul3A_58 = arith.mulf %mul3A_56, %sub3A_57 : vector<1x32xf32>
      %add3A_59 = arith.addf %broadcast_in_dim3A_53, %mul3A_58 : vector<1x32xf32>
      %mul3A_60 = arith.mulf %get3A_37, %get3A_37 : vector<1x32xf32>
      %add3A_61 = arith.addf %add3A_59, %mul3A_60 : vector<1x32xf32>
      %mul3A_62 = arith.mulf %add3A, %add3A : vector<1x32xf32>
      %sub3A_63 = arith.subf %add3A_61, %mul3A_62 : vector<1x32xf32>
      %add3A_64 = arith.constant 9.99999974E-6 : f32
      %add3A_65 = vector.broadcast %add3A_64 : f32 to vector<1x32xf32>
      %add3A_66 = arith.addf %sub3A_63, %add3A_65 : vector<1x32xf32>
      %sqrt3A = math.sqrt %add3A_66 : vector<1x32xf32>
      %div3A_67 = arith.divf %get3A_40, %sqrt3A : vector<1x32xf32>
      %mul3A_68 = arith.mulf %add3A, %div3A_67 : vector<1x32xf32>
      %sub3A_69 = arith.subf %get3A_43, %mul3A_68 : vector<1x32xf32>
      %get3A_70 = arith.constant 0 : index
      %get3A_71 = arith.constant 0 : index
      %get3A_72 = vector.load %arg4[%get3A_70, %get3A_71] : memref<16x32xf32, #tpu.memory_space<vmem>>, vector<16x32xf32>
      %convert_element_type3A_73 = arith.truncf %reshape3A_25 : vector<8192x16xf32> to vector<8192x16xbf16>
      %convert_element_type3A_74 = arith.truncf %get3A_72 : vector<16x32xf32> to vector<16x32xbf16>
      %dot_general3A_75 = arith.constant dense<0.000000e+00> : vector<8192x32xf32>
      %dot_general3A_76 = tpu.matmul %convert_element_type3A_73, %convert_element_type3A_74, %dot_general3A_75 {dimension_numbers = #tpu.dot_dimension_numbers<[1], [0], [0], [1], [0, 0, 1, 1], [], []>, transpose_lhs_hint = false} : vector<8192x16xbf16>, vector<16x32xbf16>, vector<8192x32xf32> -> vector<8192x32xf32>
      %mul3A_77 = vector.broadcast %div3A_67 : vector<1x32xf32> to vector<8192x32xf32>
      %mul3A_78 = arith.mulf %dot_general3A_76, %mul3A_77 : vector<8192x32xf32>
      %add3A_79 = vector.broadcast %sub3A_69 : vector<1x32xf32> to vector<8192x32xf32>
      %add3A_80 = arith.addf %mul3A_78, %add3A_79 : vector<8192x32xf32>
      %max3A = arith.constant 0.000000e+00 : f32
      %max3A_81 = vector.broadcast %max3A : f32 to vector<8192x32xf32>
      %max3A_82 = arith.maximumf %add3A_80, %max3A_81 : vector<8192x32xf32>
      %get3A_83 = arith.constant 0 : index
      %get3A_84 = arith.constant 0 : index
      %get3A_85 = vector.load %arg19[%get3A_83, %get3A_84] : memref<1x32xf32, #tpu.memory_space<vmem>>, vector<1x32xf32>
      %get3A_86 = arith.constant 0 : index
      %get3A_87 = arith.constant 0 : index
      %get3A_88 = vector.load %arg20[%get3A_86, %get3A_87] : memref<32x32xf32, #tpu.memory_space<vmem>>, vector<32x32xf32>
      %get3A_89 = arith.constant 0 : index
      %get3A_90 = arith.constant 0 : index
      %get3A_91 = vector.load %arg8[%get3A_89, %get3A_90] : memref<32x32xf32, #tpu.memory_space<vmem>>, vector<32x32xf32>
      %get3A_92 = arith.constant 0 : index
      %get3A_93 = arith.constant 0 : index
      %get3A_94 = vector.load %arg9[%get3A_92, %get3A_93] : memref<1x32xf32, #tpu.memory_space<vmem>>, vector<1x32xf32>
      %get3A_95 = arith.constant 0 : index
      %get3A_96 = arith.constant 0 : index
      %get3A_97 = vector.load %arg10[%get3A_95, %get3A_96] : memref<1x32xf32, #tpu.memory_space<vmem>>, vector<1x32xf32>
      %get3A_98 = arith.constant 0 : index
      %get3A_99 = arith.constant 0 : index
      %get3A_100 = vector.load %arg11[%get3A_98, %get3A_99] : memref<1x32xf32, #tpu.memory_space<vmem>>, vector<1x32xf32>
      %div3A_101 = arith.constant 1.310720e+05 : f32
      %div3A_102 = vector.broadcast %div3A_101 : f32 to vector<1x32xf32>
      %div3A_103 = arith.divf %get3A_85, %div3A_102 : vector<1x32xf32>
      %dot_general3A_104 = arith.constant dense<0.000000e+00> : vector<1x32xf32>
      %dot_general3A_105 = tpu.matmul %div3A_103, %get3A_91, %dot_general3A_104 {dimension_numbers = #tpu.dot_dimension_numbers<[1], [0], [0], [1], [0, 0, 1, 1], [], []>, transpose_lhs_hint = false} : vector<1x32xf32>, vector<32x32xf32>, vector<1x32xf32> -> vector<1x32xf32>
      %add3A_106 = arith.addf %dot_general3A_105, %get3A_94 : vector<1x32xf32>
      %div3A_107 = arith.constant 1.310720e+05 : f32
      %div3A_108 = vector.broadcast %div3A_107 : f32 to vector<32x32xf32>
      %div3A_109 = arith.divf %get3A_88, %div3A_108 : vector<32x32xf32>
      %dot_general3A_110 = arith.constant dense<0.000000e+00> : vector<32x32xf32>
      %dot_general3A_111 = tpu.matmul %div3A_109, %get3A_91, %dot_general3A_110 {dimension_numbers = #tpu.dot_dimension_numbers<[1], [0], [0], [1], [0, 0, 1, 1], [], []>, transpose_lhs_hint = false} : vector<32x32xf32>, vector<32x32xf32>, vector<32x32xf32> -> vector<32x32xf32>
      %mul3A_112 = arith.mulf %get3A_91, %dot_general3A_111 : vector<32x32xf32>
      %reduce_sum3A_113 = arith.constant dense<0.000000e+00> : vector<32xf32>
      %reduce_sum3A_114 = vector.multi_reduction <add>, %mul3A_112, %reduce_sum3A_113 [0] : vector<32x32xf32> to vector<32xf32>
      %broadcast_in_dim3A_115 = vector.shape_cast %reduce_sum3A_114 : vector<32xf32> to vector<1x32xf32>
      %mul3A_116 = arith.constant 2.000000e+00 : f32
      %mul3A_117 = vector.broadcast %mul3A_116 : f32 to vector<1x32xf32>
      %mul3A_118 = arith.mulf %mul3A_117, %get3A_94 : vector<1x32xf32>
      %sub3A_119 = arith.subf %add3A_106, %get3A_94 : vector<1x32xf32>
      %mul3A_120 = arith.mulf %mul3A_118, %sub3A_119 : vector<1x32xf32>
      %add3A_121 = arith.addf %broadcast_in_dim3A_115, %mul3A_120 : vector<1x32xf32>
      %mul3A_122 = arith.mulf %get3A_94, %get3A_94 : vector<1x32xf32>
      %add3A_123 = arith.addf %add3A_121, %mul3A_122 : vector<1x32xf32>
      %mul3A_124 = arith.mulf %add3A_106, %add3A_106 : vector<1x32xf32>
      %sub3A_125 = arith.subf %add3A_123, %mul3A_124 : vector<1x32xf32>
      %add3A_126 = arith.constant 9.99999974E-6 : f32
      %add3A_127 = vector.broadcast %add3A_126 : f32 to vector<1x32xf32>
      %add3A_128 = arith.addf %sub3A_125, %add3A_127 : vector<1x32xf32>
      %sqrt3A_129 = math.sqrt %add3A_128 : vector<1x32xf32>
      %div3A_130 = arith.divf %get3A_97, %sqrt3A_129 : vector<1x32xf32>
      %mul3A_131 = arith.mulf %add3A_106, %div3A_130 : vector<1x32xf32>
      %sub3A_132 = arith.subf %get3A_100, %mul3A_131 : vector<1x32xf32>
      %get3A_133 = arith.constant 0 : index
      %get3A_134 = arith.constant 0 : index
      %get3A_135 = vector.load %arg8[%get3A_133, %get3A_134] : memref<32x32xf32, #tpu.memory_space<vmem>>, vector<32x32xf32>
      %convert_element_type3A_136 = arith.truncf %max3A_82 : vector<8192x32xf32> to vector<8192x32xbf16>
      %convert_element_type3A_137 = arith.truncf %get3A_135 : vector<32x32xf32> to vector<32x32xbf16>
      %dot_general3A_138 = arith.constant dense<0.000000e+00> : vector<8192x32xf32>
      %dot_general3A_139 = tpu.matmul %convert_element_type3A_136, %convert_element_type3A_137, %dot_general3A_138 {dimension_numbers = #tpu.dot_dimension_numbers<[1], [0], [0], [1], [0, 0, 1, 1], [], []>, transpose_lhs_hint = false} : vector<8192x32xbf16>, vector<32x32xbf16>, vector<8192x32xf32> -> vector<8192x32xf32>
      %mul3A_140 = vector.broadcast %div3A_130 : vector<1x32xf32> to vector<8192x32xf32>
      %mul3A_141 = arith.mulf %dot_general3A_139, %mul3A_140 : vector<8192x32xf32>
      %add3A_142 = vector.broadcast %sub3A_132 : vector<1x32xf32> to vector<8192x32xf32>
      %add3A_143 = arith.addf %mul3A_141, %add3A_142 : vector<8192x32xf32>
      %max3A_144 = arith.constant 0.000000e+00 : f32
      %max3A_145 = vector.broadcast %max3A_144 : f32 to vector<8192x32xf32>
      %max3A_146 = arith.maximumf %add3A_143, %max3A_145 : vector<8192x32xf32>
      %get3A_147 = arith.constant 0 : index
      %get3A_148 = arith.constant 0 : index
      %get3A_149 = vector.load %arg21[%get3A_147, %get3A_148] : memref<1x32xf32, #tpu.memory_space<vmem>>, vector<1x32xf32>
      %get3A_150 = arith.constant 0 : index
      %get3A_151 = arith.constant 0 : index
      %get3A_152 = vector.load %arg22[%get3A_150, %get3A_151] : memref<32x32xf32, #tpu.memory_space<vmem>>, vector<32x32xf32>
      %get3A_153 = arith.constant 0 : index
      %get3A_154 = arith.constant 0 : index
      %get3A_155 = vector.load %arg12[%get3A_153, %get3A_154] : memref<32x64xf32, #tpu.memory_space<vmem>>, vector<32x64xf32>
      %get3A_156 = arith.constant 0 : index
      %get3A_157 = arith.constant 0 : index
      %get3A_158 = vector.load %arg13[%get3A_156, %get3A_157] : memref<1x64xf32, #tpu.memory_space<vmem>>, vector<1x64xf32>
      %get3A_159 = arith.constant 0 : index
      %get3A_160 = arith.constant 0 : index
      %get3A_161 = vector.load %arg14[%get3A_159, %get3A_160] : memref<1x64xf32, #tpu.memory_space<vmem>>, vector<1x64xf32>
      %get3A_162 = arith.constant 0 : index
      %get3A_163 = arith.constant 0 : index
      %get3A_164 = vector.load %arg15[%get3A_162, %get3A_163] : memref<1x64xf32, #tpu.memory_space<vmem>>, vector<1x64xf32>
      %div3A_165 = arith.constant 1.310720e+05 : f32
      %div3A_166 = vector.broadcast %div3A_165 : f32 to vector<1x32xf32>
      %div3A_167 = arith.divf %get3A_149, %div3A_166 : vector<1x32xf32>
      %dot_general3A_168 = arith.constant dense<0.000000e+00> : vector<1x64xf32>
      %dot_general3A_169 = tpu.matmul %div3A_167, %get3A_155, %dot_general3A_168 {dimension_numbers = #tpu.dot_dimension_numbers<[1], [0], [0], [1], [0, 0, 1, 1], [], []>, transpose_lhs_hint = false} : vector<1x32xf32>, vector<32x64xf32>, vector<1x64xf32> -> vector<1x64xf32>
      %add3A_170 = arith.addf %dot_general3A_169, %get3A_158 : vector<1x64xf32>
      %div3A_171 = arith.constant 1.310720e+05 : f32
      %div3A_172 = vector.broadcast %div3A_171 : f32 to vector<32x32xf32>
      %div3A_173 = arith.divf %get3A_152, %div3A_172 : vector<32x32xf32>
      %dot_general3A_174 = arith.constant dense<0.000000e+00> : vector<32x64xf32>
      %dot_general3A_175 = tpu.matmul %div3A_173, %get3A_155, %dot_general3A_174 {dimension_numbers = #tpu.dot_dimension_numbers<[1], [0], [0], [1], [0, 0, 1, 1], [], []>, transpose_lhs_hint = false} : vector<32x32xf32>, vector<32x64xf32>, vector<32x64xf32> -> vector<32x64xf32>
      %mul3A_176 = arith.mulf %get3A_155, %dot_general3A_175 : vector<32x64xf32>
      %reduce_sum3A_177 = arith.constant dense<0.000000e+00> : vector<64xf32>
      %reduce_sum3A_178 = vector.multi_reduction <add>, %mul3A_176, %reduce_sum3A_177 [0] : vector<32x64xf32> to vector<64xf32>
      %broadcast_in_dim3A_179 = vector.shape_cast %reduce_sum3A_178 : vector<64xf32> to vector<1x64xf32>
      %mul3A_180 = arith.constant 2.000000e+00 : f32
      %mul3A_181 = vector.broadcast %mul3A_180 : f32 to vector<1x64xf32>
      %mul3A_182 = arith.mulf %mul3A_181, %get3A_158 : vector<1x64xf32>
      %sub3A_183 = arith.subf %add3A_170, %get3A_158 : vector<1x64xf32>
      %mul3A_184 = arith.mulf %mul3A_182, %sub3A_183 : vector<1x64xf32>
      %add3A_185 = arith.addf %broadcast_in_dim3A_179, %mul3A_184 : vector<1x64xf32>
      %mul3A_186 = arith.mulf %get3A_158, %get3A_158 : vector<1x64xf32>
      %add3A_187 = arith.addf %add3A_185, %mul3A_186 : vector<1x64xf32>
      %mul3A_188 = arith.mulf %add3A_170, %add3A_170 : vector<1x64xf32>
      %sub3A_189 = arith.subf %add3A_187, %mul3A_188 : vector<1x64xf32>
      %add3A_190 = arith.constant 9.99999974E-6 : f32
      %add3A_191 = vector.broadcast %add3A_190 : f32 to vector<1x64xf32>
      %add3A_192 = arith.addf %sub3A_189, %add3A_191 : vector<1x64xf32>
      %sqrt3A_193 = math.sqrt %add3A_192 : vector<1x64xf32>
      %div3A_194 = arith.divf %get3A_161, %sqrt3A_193 : vector<1x64xf32>
      %mul3A_195 = arith.mulf %add3A_170, %div3A_194 : vector<1x64xf32>
      %sub3A_196 = arith.subf %get3A_164, %mul3A_195 : vector<1x64xf32>
      %get3A_197 = arith.constant 0 : index
      %get3A_198 = arith.constant 0 : index
      %get3A_199 = vector.load %arg12[%get3A_197, %get3A_198] : memref<32x64xf32, #tpu.memory_space<vmem>>, vector<32x64xf32>
      %convert_element_type3A_200 = arith.truncf %max3A_146 : vector<8192x32xf32> to vector<8192x32xbf16>
      %convert_element_type3A_201 = arith.truncf %get3A_199 : vector<32x64xf32> to vector<32x64xbf16>
      %dot_general3A_202 = arith.constant dense<0.000000e+00> : vector<8192x64xf32>
      %dot_general3A_203 = tpu.matmul %convert_element_type3A_200, %convert_element_type3A_201, %dot_general3A_202 {dimension_numbers = #tpu.dot_dimension_numbers<[1], [0], [0], [1], [0, 0, 1, 1], [], []>, transpose_lhs_hint = false} : vector<8192x32xbf16>, vector<32x64xbf16>, vector<8192x64xf32> -> vector<8192x64xf32>
      %mul3A_204 = vector.broadcast %div3A_194 : vector<1x64xf32> to vector<8192x64xf32>
      %mul3A_205 = arith.mulf %dot_general3A_203, %mul3A_204 : vector<8192x64xf32>
      %add3A_206 = vector.broadcast %sub3A_196 : vector<1x64xf32> to vector<8192x64xf32>
      %add3A_207 = arith.addf %mul3A_205, %add3A_206 : vector<8192x64xf32>
      %max3A_208 = arith.constant 0.000000e+00 : f32
      %max3A_209 = vector.broadcast %max3A_208 : f32 to vector<8192x64xf32>
      %max3A_210 = arith.maximumf %add3A_207, %max3A_209 : vector<8192x64xf32>
      %reshape3A_211 = vector.shape_cast %max3A_210 : vector<8192x64xf32> to vector<256x32x64xf32>
      %reduce_max3A = arith.constant dense<0xFF800000> : vector<256x64xf32>
      %reduce_max3A_212 = vector.multi_reduction <maximumf>, %reshape3A_211, %reduce_max3A [1] : vector<256x32x64xf32> to vector<256x64xf32>
      %swap3A = arith.constant 0 : index
      %swap3A_213 = arith.constant 0 : index
      %swap3A_214 = vector.load %arg16[%swap3A, %swap3A_213] : memref<256x64xf32, #tpu.memory_space<vmem>>, vector<256x64xf32>
      tpu.vector_store %arg16[%swap3A, %swap3A_213], %reduce_max3A_212 {strides = array<i32>} : memref<256x64xf32, #tpu.memory_space<vmem>>, vector<256x64xf32>,
    } else {
    }
    return
  }
  func.func @transform_0(%arg0: i32, %arg1: i32) -> (i32, i32) {
    %c0_i32 = arith.constant 0 : i32
    %c0_i32_0 = arith.constant 0 : i32
    return %arg1, %c0_i32 : i32, i32
  }
  func.func @transform_1(%arg0: i32, %arg1: i32) -> (i32, i32) {
    %c0_i32 = arith.constant 0 : i32
    %c0_i32_0 = arith.constant 0 : i32
    return %arg1, %c0_i32 : i32, i32
  }
  func.func @transform_2(%arg0: i32, %arg1: i32) -> (i32, i32) {
    %c0_i32 = arith.constant 0 : i32
    %c0_i32_0 = arith.constant 0 : i32
    %c0_i32_1 = arith.constant 0 : i32
    return %c0_i32, %c0_i32_0 : i32, i32
  }
  func.func @transform_3(%arg0: i32, %arg1: i32) -> (i32, i32) {
    %c0_i32 = arith.constant 0 : i32
    %c0_i32_0 = arith.constant 0 : i32
    %c0_i32_1 = arith.constant 0 : i32
    return %c0_i32, %c0_i32_0 : i32, i32
  }
  func.func @transform_4(%arg0: i32, %arg1: i32) -> (i32, i32) {
    %c0_i32 = arith.constant 0 : i32
    %c0_i32_0 = arith.constant 0 : i32
    %c0_i32_1 = arith.constant 0 : i32
    return %c0_i32, %c0_i32_0 : i32, i32
  }
  func.func @transform_5(%arg0: i32, %arg1: i32) -> (i32, i32) {
    %c0_i32 = arith.constant 0 : i32
    %c0_i32_0 = arith.constant 0 : i32
    %c0_i32_1 = arith.constant 0 : i32
    return %c0_i32, %c0_i32_0 : i32, i32
  }
  func.func @transform_6(%arg0: i32, %arg1: i32) -> (i32, i32) {
    %c0_i32 = arith.constant 0 : i32
    %c0_i32_0 = arith.constant 0 : i32
    %c0_i32_1 = arith.constant 0 : i32
    return %c0_i32, %c0_i32_0 : i32, i32
  }
  func.func @transform_7(%arg0: i32, %arg1: i32) -> (i32, i32) {
    %c0_i32 = arith.constant 0 : i32
    %c0_i32_0 = arith.constant 0 : i32
    %c0_i32_1 = arith.constant 0 : i32
    return %c0_i32, %c0_i32_0 : i32, i32
  }
  func.func @transform_8(%arg0: i32, %arg1: i32) -> (i32, i32) {
    %c0_i32 = arith.constant 0 : i32
    %c0_i32_0 = arith.constant 0 : i32
    %c0_i32_1 = arith.constant 0 : i32
    return %c0_i32, %c0_i32_0 : i32, i32
  }
  func.func @transform_9(%arg0: i32, %arg1: i32) -> (i32, i32) {
    %c0_i32 = arith.constant 0 : i32
    %c0_i32_0 = arith.constant 0 : i32
    %c0_i32_1 = arith.constant 0 : i32
    return %c0_i32, %c0_i32_0 : i32, i32
  }
  func.func @transform_10(%arg0: i32, %arg1: i32) -> (i32, i32) {
    %c0_i32 = arith.constant 0 : i32
    %c0_i32_0 = arith.constant 0 : i32
    %c0_i32_1 = arith.constant 0 : i32
    return %c0_i32, %c0_i32_0 : i32, i32
  }
  func.func @transform_11(%arg0: i32, %arg1: i32) -> (i32, i32) {
    %c0_i32 = arith.constant 0 : i32
    %c0_i32_0 = arith.constant 0 : i32
    %c0_i32_1 = arith.constant 0 : i32
    return %c0_i32, %c0_i32_0 : i32, i32
  }
  func.func @transform_12(%arg0: i32, %arg1: i32) -> (i32, i32) {
    %c0_i32 = arith.constant 0 : i32
    %c0_i32_0 = arith.constant 0 : i32
    %c0_i32_1 = arith.constant 0 : i32
    return %c0_i32, %c0_i32_0 : i32, i32
  }
  func.func @transform_13(%arg0: i32, %arg1: i32) -> (i32, i32) {
    %c0_i32 = arith.constant 0 : i32
    %c0_i32_0 = arith.constant 0 : i32
    %c0_i32_1 = arith.constant 0 : i32
    return %c0_i32, %c0_i32_0 : i32, i32
  }
  func.func @transform_14(%arg0: i32, %arg1: i32) -> (i32, i32) {
    %c0_i32 = arith.constant 0 : i32
    %c0_i32_0 = arith.constant 0 : i32
    return %arg1, %c0_i32 : i32, i32
  }
}

</mosaic_0001>

<sc_bundles>
// kernel: kernel.6.cloned.1.call-start
scs
__scs_entry_jumppad:
0x0: {  	(pc) =	sbr.rel $0x88, $3  }
0x1: {  	(tag) =	ssettag $0x0;
	lr =	simm.s32 $0x1  }
0x2: {  	[smem:$0x3F93] =	sst lr;
	_ =	strace $0xD0000000  }
0x3: {  	_ = 	snop  }
0x4: {  	_ = 	snop  }
0x5: {  	_ = 	snop  }
0x6: {  	_ = 	snop  }
0x7: {  	_ = 	snop  }
__scs_overlays_trampoline_lowered:
0x8: {  	[smem:$0x3FA2] =	sst s0  }
0x9: {  	[smem:$0x3FA3] =	sst s1  }
0xa: {  	[smem:$0x3FA4] =	sst s2  }
0xb: {  	[smem:$0x3FA5] =	sst s3  }
0xc: {  	[smem:$0x3FA6] =	sst s4  }
0xd: {  	[smem:$0x3FA7] =	sst s5  }
0xe: {  	[smem:$0x3FA8] =	sst s6  }
0xf: {  	[smem:$0x3FA9] =	sst s7  }
0x10: {  	[smem:$0x3FAA] =	sst s8  }
0x11: {  	[smem:$0x3FAB] =	sst s9;
	s0 =	simm.s32 @!p0 $0x0  }
0x12: {  	s1 =	sld [smem:$0x3F91];
	s0 =	simm.s32 @p0 $0x1  }
0x13: {  	[smem:$0x3FAC] =	sst s0;
	s0 =	simm.s32 @!p1 $0x0  }
0x14: {  	s2 =	sld [smem:$0x3F90];
	s0 =	simm.s32 @p1 $0x1  }
0x15: {  	[smem:$0x3FAD] =	sst s0;
	s0 =	simm.s32 @!p2 $0x0  }
0x16: {  	s3 =	sld [smem:$0x3FDB];
	s0 =	simm.s32 @p2 $0x1  }
0x17: {  	s4 =	simm.s32 $0x1BF5;
	[smem:$0x3FAF] =	sst s0  }
0x18: {  	s0 =	sld [smem:$0x3F92];
	_ =	swait.ge [sflag:s4], $0x0  }
0x19: {  	s7 =	sld [smem:$0x3F93]  }
0x1a: {  	s8 =	sadd.s32 $0xFFFFE003, lr  }
0x1b: {  	s9 =	sadd.s32 $0xFFFFFEF7, lr;
	s5 =	simm.s32 $0xFFFFFFFF;
	p2 =	slt.u32 s8, $0xFFFFF086  }
0x1c: {  	p1 =	slt.u32 s9, $0xF7A;
	s5 =	simm.s32 @!p2 $0x0  }
0x1d: {  	s5 =	simm.s32 @p1 $0x1;
	p0 =	seq.s32 s7, s2  }
0x1e: {  	s7 =	smul.u32 @!p0 $0xF7A, s2;
	p2 =	seq.s32 @!p0 s5, $0x0  }
0x1f: {  	s9 =	smul.u32 $0xF7A, s1;
	s8 =	simm.s32 @!p0 $0x1BF5;
	p2 =	por !p2, p0  }
0x20: {  	[sflag:s8] =	ssyncset.s32 @!p0 $0xFFFFF086;
	s6 =	sadd.s32 @!p0 s3, s7;
	s7 =	simm.s32 @!p0 $0x108  }
0x21: {  	s3 =	sadd.s32 s3, s9;
	s6 =	sadd.s32 @!p0 $0x88, s6;
	s7 =	simm.s32 @p2 $0x1082  }
0x22: {  	[simem:s7], [sflag:s8] =	dma.local @!p0 [hbm:s6], $0xF7A  }
0x23: {  	s9 =	sor.u32 $0xD0000000, s2;
	s6 =	simm.s32 $0x108;
	_ =	swait.ge @!p0 [sflag:s8], $0x0  }
0x24: {  	s3 =	sadd.s32 $0x88, s3;
	s6 =	simm.s32 @!p1 $0x1082;
	[sflag:s4] =	ssyncset.s32 $0xFFFFF086  }
0x25: {  	[simem:s6], [sflag:s4] =	dma.local [hbm:s3], $0xF7A  }
0x26: {  	[smem:$0x3F93] =	sst s1;
	(tag) =	ssettag s2;
	_ =	strace s9  }
0x27: {  	s1 =	sld [smem:$0x3FA3]  }
0x28: {  	s2 =	sld [smem:$0x3FA4]  }
0x29: {  	s4 =	sld [smem:$0x3FA6]  }
0x2a: {  	p0 =	seq.s32 s5, $0x0;
	s5 =	sld [smem:$0x3FA7]  }
0x2b: {  	s6 =	sld [smem:$0x3FA8]  }
0x2c: {  	s7 =	sld [smem:$0x3FA9]  }
0x2d: {  	s3 =	simm.s32 $0x108;
	s8 =	sld [smem:$0x3FAA]  }
0x2e: {  	s3 =	simm.s32 @!p0 $0x1082;
	s9 =	sld [smem:$0x3FAB]  }
0x2f: {  	lr =	sadd.s32 s0, s3;
	s0 =	sld [smem:$0x3FA2]  }
0x30: {  	s3 =	sld [smem:$0x3FA5]  }
0x31: {  	[smem:$0x3FAE] =	sst s10  }
0x32: {  	s10 =	sld [smem:$0x3FAC];
	_ =	sdelay $0x3  }
0x33: {  	p0 =	seq.s32 s10, $0x1;
	s10 =	sld [smem:$0x3FAE];
	_ =	sdelay $0x3  }
0x34: {  	[smem:$0x3FAE] =	sst s10  }
0x35: {  	s10 =	sld [smem:$0x3FAD];
	_ =	sdelay $0x3  }
0x36: {  	p1 =	seq.s32 s10, $0x1;
	s10 =	sld [smem:$0x3FAE];
	_ =	sdelay $0x3  }
0x37: {  	[smem:$0x3FAE] =	sst s10  }
0x38: {  	s10 =	sld [smem:$0x3FAF]  }
0x39: {  	_ = 	snop;
	(pc) =	sbr.ind lr, $3  }
0x3a: {  	_ = 	snop  }
0x3b: {  	_ = 	snop  }
0x3c: {  	p2 =	seq.s32 s10, $0x1;
	s10 =	sld [smem:$0x3FAE]  }
0x3d: {  	_ =	shalt  }
0x3e: {  	_ =	shalt  }
0x3f: {  	_ =	shalt  }
0x40: {  	_ =	shalt  }
0x41: {  	_ =	shalt  }
0x42: {  	_ =	shalt  }
0x43: {  	_ =	shalt  }
0x44: {  	_ =	shalt  }
0x45: {  	_ =	shalt  }
0x46: {  	_ =	shalt  }
0x47: {  	_ =	shalt  }
0x48: {  	_ =	shalt  }
0x49: {  	_ =	shalt  }
0x4a: {  	_ =	shalt  }
0x4b: {  	_ =	shalt  }
0x4c: {  	_ =	shalt  }
0x4d: {  	_ =	shalt  }
0x4e: {  	_ =	shalt  }
0x4f: {  	_ =	shalt  }
0x50: {  	_ =	shalt  }
0x51: {  	_ =	shalt  }
0x52: {  	_ =	shalt  }
0x53: {  	_ =	shalt  }
0x54: {  	_ =	shalt  }
0x55: {  	_ =	shalt  }
0x56: {  	_ =	shalt  }
0x57: {  	_ =	shalt  }
0x58: {  	_ =	shalt  }
0x59: {  	_ =	shalt  }
0x5a: {  	_ =	shalt  }
0x5b: {  	_ =	shalt  }
0x5c: {  	_ =	shalt  }
0x5d: {  	_ =	shalt  }
0x5e: {  	_ =	shalt  }
0x5f: {  	_ =	shalt  }
0x60: {  	_ =	shalt  }
0x61: {  	_ =	shalt  }
0x62: {  	_ =	shalt  }
0x63: {  	_ =	shalt  }
0x64: {  	_ =	shalt  }
0x65: {  	_ =	shalt  }
0x66: {  	_ =	shalt  }
0x67: {  	_ =	shalt  }
0x68: {  	_ =	shalt  }
0x69: {  	_ =	shalt  }
0x6a: {  	_ =	shalt  }
0x6b: {  	_ =	shalt  }
0x6c: {  	_ =	shalt  }
0x6d: {  	_ =	shalt  }
0x6e: {  	_ =	shalt  }
0x6f: {  	_ =	shalt  }
0x70: {  	_ =	shalt  }
0x71: {  	_ =	shalt  }
0x72: {  	_ =	shalt  }
0x73: {  	_ =	shalt  }
0x74: {  	_ =	shalt  }
0x75: {  	_ =	shalt  }
0x76: {  	_ =	shalt  }
0x77: {  	_ =	shalt  }
0x78: {  	_ =	shalt  }
0x79: {  	_ =	shalt  }
0x7a: {  	_ =	shalt  }
0x7b: {  	_ =	shalt  }
0x7c: {  	_ =	shalt  }
0x7d: {  	_ =	shalt  }
0x7e: {  	_ =	shalt  }
0x7f: {  	_ =	shalt  }
0x80: {  	_ =	shalt  }
0x81: {  	_ =	shalt  }
0x82: {  	_ =	shalt  }
0x83: {  	_ =	shalt  }
0x84: {  	_ =	shalt  }
0x85: {  	_ =	shalt  }
0x86: {  	_ =	shalt  }
0x87: {  	_ =	shalt  }
.Lfunc_end0:
.L_simem_size_0:
called_computation_lowered:
.L_overlay_start_0:
0x88: {  	s2 =	sld [smem:$0x3FD9]  }
0x89: {  	s3 =	sld [smem:$0x3FFE];
	_ =	sdelay $0x1  }
0x8a: {  	s1 =	srdreg.scid  }
0x8b: {  	s0 =	sand.u32 $0x1, s1  }
0x8c: {  	s14 =	sshll.u32 s0, $0xA;
	s2 =	sadd.s32 s3, s2  }
0x8d: {  	s2 =	sadd.s32 s2, s14  }
0x8e: {  	[smem:$0x3FBA] =	sst s2  }
0x8f: {  	_ = 	snop  }
0x90: {  	s2 =	sld [smem:$0x3FD0];
	_ =	sdelay $0x2  }
0x91: {  	s15 =	simm.s32 $0xA;
	s4 =	simm.s32 $0x10  }
0x92: {  	[smem:s4], [sflag:s15] =	dma.local [hbm:s2], $0x1  }
0x93: {  	_ =	swait.eq [sflag:s15], $0x1  }
0x94: {  	[sflag:s15] =	ssyncset.done $0x0  }
0x95: {  	[sflag:s15] =	ssyncadd.s32 $0xFFFFFFFF  }
0x96: {  	s16 =	sld [smem:$0x11];
	(tm) =	ssettm $0x1  }
0x97: {  	s17 =	sld [smem:$0x3FFB];
	_ =	sdelay $0x3  }
0x98: {  	_ =	strace s17  }
0x99: {  	s3 =	sld [smem:$0x3FFC];
	_ =	sdelay $0x3  }
0x9a: {  	_ =	strace s3  }
0x9b: {  	s3 =	sld [smem:$0x3FFD];
	_ =	sdelay $0x3  }
0x9c: {  	_ =	strace s3  }
0x9d: {  	_ =	strace $0x8FFFFFFF  }
0x9e: {  	s18 =	sld [smem:$0x3FDB];
	_ =	sdelay $0x1  }
0x9f: {  	s19 =	simm.s32 $_scs_section_size  }
0xa0: {  	s5 =	simm.s32 $_size__tile_overlayer_lowered;
	s6 =	simm.s32 $_tile_overlayer_lowered  }
0xa1: {  	s22 =	simm.s32 $0x1BFF;
	s21 =	sshll.u32 s6, $0x1;
	s3 =	sadd.s32 s19, s18  }
0xa2: {  	s7 =	simm.s32 $0x0;
	s20 =	sshll.u32 s5, $0x1;
	s5 =	sadd.s32 s21, s3  }
0xa3: {  	[timem:s7], [sflag:s22] =	dma.local [hbm:s5], s20  }
0xa4: {  	_ =	swait.ge [sflag:s22], s20  }
0xa5: {  	s4 =	ssub.s32 $0x0, s20;
	[sflag:s22] =	ssyncset.done $0x0  }
0xa6: {  	[sflag:s22] =	ssyncadd.s32 s4;
	_ =	sdelay $0x1  }
0xa7: {  	s23 =	simm.s32 $0x1B8B  }
0xa8: {  	_ =	swait.ge [sflag:s23], $0x1  }
0xa9: {  	[sflag:s23] =	ssyncset.done $0x0  }
0xaa: {  	s25 =	simm.s32 $0x1B8E;
	s24 =	sld [smem:$0x3FFE];
	[sflag:s23] =	ssyncadd.s32 $0xFFFFFFFF  }
0xab: {  	s26 =	simm.s32 $execute0_lowered;
	[smem:$0x3FD2] =	sst s25  }
0xac: {  	s5 =	sshll.u32 s26, $0x1;
	_ =	strace $0x80000046;
	[dreg:$0x1] =	wrdreg $0xFFFFFFFF  }
0xad: {  	s28 =	simm.s32 $_size_execute0_lowered;
	s3 =	sadd.s32 s3, s5;
	[dreg:$0x0] =	wrdreg $0x0  }
0xae: {  	s5 =	sshll.u32 s28, $0x1;
	[dreg:$0x2] =	wrdreg s3  }
0xaf: {  	[dreg:$0x3] =	wrdreg s5  }
0xb0: {  	[dreg:$0x4] =	wrdreg $0xC0  }
0xb1: {  	_ =	task [dreg:s7], $0x5FFFF  }
0xb2: {  	[dreg:$0x1] =	wrdreg $0xFFFFFFFF  }
0xb3: {  	[dreg:$0x0] =	wrdreg $0x60  }
0xb4: {  	[dreg:$0x2] =	wrdreg s24  }
0xb5: {  	[dreg:$0x3] =	wrdreg s16  }
0xb6: {  	[dreg:$0x4] =	wrdreg $0x9  }
0xb7: {  	_ =	task.clear_ibuf [dreg:s7], $0x5FFFF;
	_ =	strace $0x90000046  }
0xb8: {  	s29 =	simm.s32 $0x9;
	_ =	strace $0x80000048  }
0xb9: {  	_ =	swait.ge [sflag:s29], $0x1  }
0xba: {  	[sflag:s29] =	ssyncadd.s32 $0xFFFFFFFF  }
0xbb: {  	_ =	strace $0x90000048  }
0xbc: {  	_ =	sfence  }
0xbd: {  	s30 =	sld [smem:$0x0];
	_ =	sdelay $0x2  }
0xbe: {  	s31 =	sshll.u32 s1, $0xD;
	s1 =	sshrl.u32 s1, $0x2  }
0xbf: {  	s3 =	sand.u32 $0x4000, s31;
	s1 =	sadd.s32 s1, s30  }
0xc0: {  	s0 =	sor.u32 s3, s0;
	s1 =	sshll.u32 s1, $0x11  }
0xc1: {  	s0 =	sor.u32 s1, s0  }
0xc2: {  	s0 =	sadd.s32 $0x8F2B, s0  }
0xc3: {  	[sflag:s0] =	ssyncadd.remote.s32 $0x1  }
0xc4: {  	_ =	sfence.sel $0xFFFF  }
0xc5: {  	[dreg:$0x0] =	wrdreg $0xFFFFFFFF;
	(pc) =	sbr.abs _section_cstart, $3  }
0xc6: {  	[dreg:$0x1] =	wrdreg $0xFFFFFFFF  }
0xc7: {  	_ =	task.clear_ibuf [dreg:s7], $0x2FFFF;
	_ =	strace $0x9FFFFFFF  }
0xc8: {  	(tm) =	ssettm $0x7FFFFFFF  }
0xc9: {  	_ =	shalt  }
tec
execute0_lowered:
.L_overlay_start_1:
0x0: {  	(tag) =	ssettag $0x1  }
0x1: {  	s4 =	rddreg [dreg:$0x0]  }
0x2: {  	s5 =	rddreg [dreg:$0x1]  }
0x3: {  	s0 =	rddreg [dreg:$0x2];
	s2 =	simm.s32 $0x0  }
0x4: {  	s1 =	stileid.u32;
	s3 =	srdreg.scid;
	s11 =	simm.s32 $0x0  }
0x5: {  	[smem:$0x7FF] =	sst s2;
	s6 =	sshll.u32 s1, $0xE;
	s7 =	sand.u32 $0x1, s3  }
0x6: {  	s3 =	sadd.s32 $0x2200, s4;
	s9 =	sshll.u32 s1, $0xA;
	_ =	strace $0x80000047  }
0x7: {  	s6 =	sadd.s32 s6, s4;
	s30 =	ssub.s32 $0x2, s7;
	s10 =	sshll.u32 s7, $0x9  }
0x8: {  	s7 =	sshll.u32 s7, $0xD;
	s8 =	sshrl.u32 s30, $0x1;
	s31 =	sor.u32 s10, s9  }
0x9: {  	s6 =	sadd.s32 s7, s6;
	s7 =	simm.s32 $0x2;
	s9 =	simm.s32 $0x1000  }
0xa: {  	s10 =	simm.s32 $0x1;
	s8 =	ssub.s32 s30, s8;
	s4 =	sadd.s32 s5, s31  }
0xb: {  	s6 =	sadd.s32 $0x12200, s6;
	s5 =	smax.u32 s8, $0x1;
	s8 =	simm.s32 $0x80  }
.LBB2_1:
0xc: {  	[tilespmem:s2], [sflag:$0x2] =	stream.linear.gather [hbm4b:s4+s2], $0x1000, $0x38;
	[tilespmem:$0x1800] =	vst v63  }
0xd: {  	_ =	swait.ge [sflag:s7], $0x1000  }
0xe: {  	[sflag:s7] =	ssyncset.done $0x0  }
0xf: {  	[sflag:s7] =	ssyncadd.s32 $0xFFFFF000  }
0x10: {  	[tilespmem:s9], [sflag:$0x1] =	stream.indirect.gather [hbm4b:s3+s8], $0x10, s2, s8, $0xb8;
	[tilespmem:$0x1800] =	vst v63  }
0x11: {  	_ =	swait.ge [sflag:s10], $0x800  }
0x12: {  	[sflag:s10] =	ssyncset.done $0x0  }
0x13: {  	s12 =	sadd.s32 $0x0, s6;
	[sflag:s10] =	ssyncadd.s32 $0xFFFFF800  }
0x14: {  	[hbm4b:s12+s2] =	stream.linear.scatter [tilespmem:s9], [sflag:$0x2], $0x800, $0x38;
	[tilespmem:$0x1800] =	vst v63  }
0x15: {  	_ =	swait.ge [sflag:s7], $0x800  }
0x16: {  	s13 =	simm.s32 $0x0;
	s12 =	simm.s32 $0x100;
	[sflag:s7] =	ssyncset.done $0x0  }
.LBB2_2:
0x17: {  	p0 =	sne.s32 s12, $0x1F00;
	[sflag:s7] =	ssyncadd.s32 $0xFFFFF800;
	s13 =	sadd.s32 $0x80, s13  }
0x18: {  	[tilespmem:s9], [sflag:$0x1] =	stream.indirect.gather [hbm4b:s3+s8], $0x10, s13, s8, $0xb8;
	[tilespmem:$0x1800] =	vst v63  }
0x19: {  	s14 =	smov.u32 s12;
	s12 =	sadd.s32 $0x100, s12;
	_ =	swait.ge [sflag:s10], $0x800  }
.Ltmp0:
0x1a: {  	[sflag:s10] =	ssyncset.done $0x0;
	(pc) =	sbr.rel @p0 .LBB2_2-.Ltmp0, $4  }
0x1b: {  	s14 =	sadd.s32 s14, s6;
	[sflag:s10] =	ssyncadd.s32 $0xFFFFF800  }
0x1c: {  	[hbm4b:s14+s2] =	stream.linear.scatter [tilespmem:s9], [sflag:$0x2], $0x800, $0x38;
	[tilespmem:$0x1800] =	vst v63  }
0x1d: {  	_ =	swait.ge [sflag:s7], $0x800  }
0x1e: {  	[sflag:s7] =	ssyncset.done $0x0  }
0x1f: {  	s11 =	sadd.s32 $0x1, s11  }
0x20: {  	p0 =	sne.s32 s11, s5  }
.Ltmp1:
0x21: {  	_ = 	snop;
	(pc) =	sbr.rel @p0 .LBB2_1-.Ltmp1, $2  }
0x22: {  	_ =	sdelay $0x2  }
0x23: {  	[sflag:s7] =	ssyncadd.s32 $0xFFFFF800  }
0x24: {  	_ =	sfence.sel $0x180000  }
0x25: {  	[bflag:$0x0] =	sbarrier.arrive $0xFFFF  }
0x26: {  	p0 =	sne.s32 s1, $0x0;
	_ =	strace $0x90000047  }
0x27: {  	s0 =	sadd.s32 @!p0 $0x100000, s0;
	[bflag:$0x2] =	sbarrier.arrive $0xFFFF  }
0x28: {  	[sflag:s0] =	ssyncadd.tile.s32 @!p0 $0x1;
	_ =	shalt  }
.Lfunc_end2:
_tile_overlayer_lowered:
.L_overlay_start_2:
0x29: {  	(tag) =	ssettag $0x2  }
0x2a: {  	s0 =	rddreg [dreg:$0x0];
	s2 =	stileid.u32  }
0x2b: {  	s1 =	rddreg [dreg:$0x1];
	p0 =	sne.s32 s2, $0x0  }
0x2c: {  	s3 =	rddreg [dreg:$0x2];
	[bflag:$0x3] =	sbarrier.arrive $0xFFFF;
	s2 =	simm.s32 @!p0 $0x1C02  }
0x2d: {  	[timem:s3], [sflag:s2] =	dma.local @!p0 [hbm:s0], s1  }
0x2e: {  	s0 =	simm.s32 @!p0 $0x2  }
0x2f: {  	_ =	swait.ge @!p0 [sflag:s0], s1  }
0x30: {  	s1 =	ssub.s32 @!p0 $0x0, s1;
	[sflag:s0] =	ssyncset.done @!p0 $0x0  }
0x31: {  	[sflag:s0] =	ssyncadd.s32 @!p0 s1  }
0x32: {  	[bflag:$0x3] =	sbarrier.arrive $0xFFFF  }
0x33: {  	_ =	shalt  }

</sc_bundles>
